<compile_context>
chip_gen: v7x
topology: tpu7x:2x2x1
jax: 0.10.2.dev20260603
libtpu: 0.0.44.dev20260713+nightly
codegen_flags: <defaults>
</compile_context>

<pallas_src>
import functools

import jax
import jax.numpy as jnp
from jax import lax
from jax.experimental import pallas as pl
from jax.experimental.pallas import tpu as pltpu
from jax.experimental.pallas import tpu_sc as plsc

VOCAB = 50257
D = 256
CTX = 256
BATCH = 1024

NC = 2
NS = 16
NW = NC * NS
NTOK = BATCH * CTX
COLS_PER_W = CTX // NW
BBLK = 128
NBLK = BATCH // BBLK
NCHUNK = COLS_PER_W * NBLK
LANES = 16


def _build_kernel():
    mesh = plsc.VectorSubcoreMesh(core_axis_name="c", subcore_axis_name="s")

    @functools.partial(
        pl.kernel,
        mesh=mesh,
        out_type=jax.ShapeDtypeStruct((NTOK, D), jnp.float32),
        scratch_types=[
            pltpu.VMEM((COLS_PER_W, NBLK, BBLK), jnp.int32),
            pltpu.VMEM((COLS_PER_W, NBLK, BBLK), jnp.int32),
            pltpu.VMEM((COLS_PER_W, D), jnp.float32),
            pltpu.VMEM((BBLK, D), jnp.float32),
            pltpu.VMEM((BBLK, D), jnp.float32),
            pltpu.SemaphoreType.DMA,
            pltpu.SemaphoreType.DMA,
            pltpu.SemaphoreType.DMA,
        ],
    )
    def emb_kernel(tok_hbm, oidx_hbm, table_hbm, pos_hbm, out_hbm,
                   idx_v, oidx_v, pos_v, buf0, buf1, sem0, sem1, sem_out):
        wid = lax.axis_index("s") * NC + lax.axis_index("c")
        pltpu.sync_copy(tok_hbm.at[wid], idx_v)
        pltpu.sync_copy(oidx_hbm.at[wid], oidx_v)
        pltpu.sync_copy(pos_hbm.at[pl.ds(wid * COLS_PER_W, COLS_PER_W)], pos_v)

        def gather(c, buf, sem):
            k = lax.div(c, NBLK)
            b = lax.rem(c, NBLK)
            pltpu.async_copy(table_hbm.at[idx_v.at[k, b]], buf, sem)

        def wait_gather(c, buf, sem):
            k = lax.div(c, NBLK)
            b = lax.rem(c, NBLK)
            pltpu.make_async_copy(table_hbm.at[idx_v.at[k, b]], buf, sem).wait()

        def add_and_store(c, buf):
            k = lax.div(c, NBLK)
            b = lax.rem(c, NBLK)
            pv = [pos_v[k, pl.ds(j * LANES, LANES)] for j in range(D // LANES)]

            @plsc.parallel_loop(0, BBLK, unroll=2)
            def _row(r):
                for j in range(D // LANES):
                    plsc.addupdate(buf.at[r, pl.ds(j * LANES, LANES)], pv[j])

            copy = pltpu.async_copy(buf, out_hbm.at[oidx_v.at[k, b]], sem_out)
            copy.wait()

        gather(0, buf0, sem0)

        def pair_body(i, carry):
            c0 = 2 * i
            c1 = 2 * i + 1
            gather(c1, buf1, sem1)
            wait_gather(c0, buf0, sem0)
            add_and_store(c0, buf0)

            @pl.when(c0 + 2 < NCHUNK)
            def _():
                gather(c0 + 2, buf0, sem0)

            wait_gather(c1, buf1, sem1)
            add_and_store(c1, buf1)
            return carry

        lax.fori_loop(0, NCHUNK // 2, pair_body, 0)

    return emb_kernel


_EMB = _build_kernel()


def kernel(tokens, token_embedding, positional_encoding):
    tok_cm = tokens.T.reshape(NW, COLS_PER_W, NBLK, BBLK).astype(jnp.int32)
    l_ids = jnp.arange(CTX, dtype=jnp.int32).reshape(CTX, 1)
    b_ids = jnp.arange(BATCH, dtype=jnp.int32).reshape(1, BATCH)
    oidx = (b_ids * CTX + l_ids).reshape(NW, COLS_PER_W, NBLK, BBLK)
    pos2d = positional_encoding.reshape(CTX, D)
    out = _EMB(tok_cm, oidx, token_embedding, pos2d)
    return out.reshape(BATCH, CTX, D)

# --- scband reference (transcript-rebuilt; emitter-appended) ---
"""Pipeline reference for scband-text-embedding-64244120814337 (READ-ONLY COPY).

The authoritative reference and input builder live on the scoring server;
editing this copy changes nothing except your own understanding.
"""

import jax, jax.numpy as jnp
import numpy as np

VOCAB_SIZE = 50257
D_MODEL = 256
CTX_LENGTH = 256
BATCH = 1024

def setup_inputs(seed: int = 0) -> dict:
    key = jax.random.key(seed)
    k_tok, k_tab, k_pos = jax.random.split(key, 3)
    tokens = jax.random.randint(k_tok, (BATCH, CTX_LENGTH), 0, VOCAB_SIZE, dtype=jnp.int64 if jax.config.jax_enable_x64 else jnp.int32)
    token_embedding = jax.random.normal(k_tab, (VOCAB_SIZE, D_MODEL), dtype=jnp.float32)
    positional_encoding = jax.random.normal(k_pos, (1, CTX_LENGTH, D_MODEL), dtype=jnp.float32)
    return {"tokens": tokens, "token_embedding": token_embedding, "positional_encoding": positional_encoding}

def reference(tokens, token_embedding, positional_encoding):
    # Embedding lookup: gather rows of the table by token ids, then add
    # the learned positional encoding (broadcast over batch).
    emb = jnp.take(token_embedding, tokens, axis=0)  # [B, L, D]
    return emb + positional_encoding

if __name__ == "__main__":
    import jax
    _d = setup_inputs()
    print(jax.jit(kernel)(*tuple(_d.values())))

</pallas_src>

<mosaic_0001>
#map = affine_map<(d0, d1) -> (0, 0, 0, 0)>
#map1 = affine_map<(d0, d1) -> (0, 0)>
module attributes {stable_mosaic.version = 14 : i64} {
  func.func @emb_kernel(%arg0: i32, %arg1: i32, %arg2: memref<32x8x8x128xi32, #tpu.memory_space<hbm>>, %arg3: memref<32x8x8x128xi32, #tpu.memory_space<hbm>>, %arg4: memref<50257x256xf32, #tpu.memory_space<hbm>>, %arg5: memref<256x256xf32, #tpu.memory_space<hbm>>, %arg6: memref<262144x256xf32, #tpu.memory_space<hbm>>, %arg7: memref<8x8x128xi32, #tpu.memory_space<vmem>>, %arg8: memref<8x8x128xi32, #tpu.memory_space<vmem>>, %arg9: memref<8x256xf32, #tpu.memory_space<vmem>>, %arg10: memref<128x256xf32, #tpu.memory_space<vmem>>, %arg11: memref<128x256xf32, #tpu.memory_space<vmem>>, %arg12: memref<!tpu.dma_semaphore, #tpu.memory_space<semaphore_mem>>, %arg13: memref<!tpu.dma_semaphore, #tpu.memory_space<semaphore_mem>>, %arg14: memref<!tpu.dma_semaphore, #tpu.memory_space<semaphore_mem>>) attributes {dimension_semantics = [#tpu.dimension_semantics<core_parallel>, #tpu.dimension_semantics<subcore_parallel>], iteration_bounds = array<i64: 2, 16>, scalar_prefetch = 0 : i64, scratch_operands = 8 : i64, tpu.core_type = #tpu.core_type<sc_vector_subcore>, window_params = [{transform_indices = #map}, {transform_indices = #map}, {transform_indices = #map1}, {transform_indices = #map1}, {transform_indices = #map1}]} {
    %mul3A = arith.constant 2 : i32
    %mul3A_0 = arith.muli %arg1, %mul3A : i32
    %add3A = arith.addi %mul3A_0, %arg0 : i32
    "tpu.region"() ({
      %run_scoped3A = tpu.sem_alloc : memref<!tpu.dma_semaphore, #tpu.memory_space<semaphore_mem>>
      %dma_start3A_17 = arith.constant 0 : i32
      %dma_start3A_18 = arith.constant 0 : i32
      %dma_start3A_19 = arith.constant 0 : i32
      %dma_start3A_20 = tpu.memref_slice %arg2[%add3A, %dma_start3A_17, %dma_start3A_18, %dma_start3A_19] : memref<32x8x8x128xi32, #tpu.memory_space<hbm>> -> memref<1x8x8x128xi32, #tpu.memory_space<hbm>>
      %dma_start3A_21 = tpu.memref_squeeze %dma_start3A_20 : memref<1x8x8x128xi32, #tpu.memory_space<hbm>> -> memref<8x8x128xi32, #tpu.memory_space<hbm>>
      %dma_start3A_22 = arith.constant 0 : i32
      %dma_start3A_23 = arith.constant 0 : i32
      %dma_start3A_24 = arith.constant 0 : i32
      %dma_start3A_25 = tpu.memref_slice %arg2[%add3A, %dma_start3A_22, %dma_start3A_23, %dma_start3A_24] : memref<32x8x8x128xi32, #tpu.memory_space<hbm>> -> memref<1x8x8x128xi32, #tpu.memory_space<hbm>>
      %dma_start3A_26 = tpu.memref_squeeze %dma_start3A_25 : memref<1x8x8x128xi32, #tpu.memory_space<hbm>> -> memref<8x8x128xi32, #tpu.memory_space<hbm>>
      tpu.enqueue_dma source(%dma_start3A_26 : memref<8x8x128xi32, #tpu.memory_space<hbm>>) target(%arg7 : memref<8x8x128xi32, #tpu.memory_space<vmem>>) target_semaphore(%run_scoped3A : memref<!tpu.dma_semaphore, #tpu.memory_space<semaphore_mem>>)
      %dma_wait3A = arith.constant 0 : i32
      %dma_wait3A_27 = arith.constant 0 : i32
      %dma_wait3A_28 = arith.constant 0 : i32
      %dma_wait3A_29 = tpu.memref_slice %arg2[%add3A, %dma_wait3A, %dma_wait3A_27, %dma_wait3A_28] : memref<32x8x8x128xi32, #tpu.memory_space<hbm>> -> memref<1x8x8x128xi32, #tpu.memory_space<hbm>>
      %dma_wait3A_30 = tpu.memref_squeeze %dma_wait3A_29 : memref<1x8x8x128xi32, #tpu.memory_space<hbm>> -> memref<8x8x128xi32, #tpu.memory_space<hbm>>
      %dma_wait3A_31 = arith.constant 0 : i32
      %dma_wait3A_32 = arith.constant 0 : i32
      %dma_wait3A_33 = arith.constant 0 : i32
      %dma_wait3A_34 = tpu.memref_slice %arg2[%add3A, %dma_wait3A_31, %dma_wait3A_32, %dma_wait3A_33] : memref<32x8x8x128xi32, #tpu.memory_space<hbm>> -> memref<1x8x8x128xi32, #tpu.memory_space<hbm>>
      %dma_wait3A_35 = tpu.memref_squeeze %dma_wait3A_34 : memref<1x8x8x128xi32, #tpu.memory_space<hbm>> -> memref<8x8x128xi32, #tpu.memory_space<hbm>>
      tpu.wait_dma2 semaphore(%run_scoped3A : memref<!tpu.dma_semaphore, #tpu.memory_space<semaphore_mem>>) src(%dma_wait3A_35 : memref<8x8x128xi32, #tpu.memory_space<hbm>>) dst(%arg7 : memref<8x8x128xi32, #tpu.memory_space<vmem>>)
      tpu.yield
    }) : () -> ()
    "tpu.region"() ({
      %run_scoped3A = tpu.sem_alloc : memref<!tpu.dma_semaphore, #tpu.memory_space<semaphore_mem>>
      %dma_start3A_17 = arith.constant 0 : i32
      %dma_start3A_18 = arith.constant 0 : i32
      %dma_start3A_19 = arith.constant 0 : i32
      %dma_start3A_20 = tpu.memref_slice %arg3[%add3A, %dma_start3A_17, %dma_start3A_18, %dma_start3A_19] : memref<32x8x8x128xi32, #tpu.memory_space<hbm>> -> memref<1x8x8x128xi32, #tpu.memory_space<hbm>>
      %dma_start3A_21 = tpu.memref_squeeze %dma_start3A_20 : memref<1x8x8x128xi32, #tpu.memory_space<hbm>> -> memref<8x8x128xi32, #tpu.memory_space<hbm>>
      %dma_start3A_22 = arith.constant 0 : i32
      %dma_start3A_23 = arith.constant 0 : i32
      %dma_start3A_24 = arith.constant 0 : i32
      %dma_start3A_25 = tpu.memref_slice %arg3[%add3A, %dma_start3A_22, %dma_start3A_23, %dma_start3A_24] : memref<32x8x8x128xi32, #tpu.memory_space<hbm>> -> memref<1x8x8x128xi32, #tpu.memory_space<hbm>>
      %dma_start3A_26 = tpu.memref_squeeze %dma_start3A_25 : memref<1x8x8x128xi32, #tpu.memory_space<hbm>> -> memref<8x8x128xi32, #tpu.memory_space<hbm>>
      tpu.enqueue_dma source(%dma_start3A_26 : memref<8x8x128xi32, #tpu.memory_space<hbm>>) target(%arg8 : memref<8x8x128xi32, #tpu.memory_space<vmem>>) target_semaphore(%run_scoped3A : memref<!tpu.dma_semaphore, #tpu.memory_space<semaphore_mem>>)
      %dma_wait3A = arith.constant 0 : i32
      %dma_wait3A_27 = arith.constant 0 : i32
      %dma_wait3A_28 = arith.constant 0 : i32
      %dma_wait3A_29 = tpu.memref_slice %arg3[%add3A, %dma_wait3A, %dma_wait3A_27, %dma_wait3A_28] : memref<32x8x8x128xi32, #tpu.memory_space<hbm>> -> memref<1x8x8x128xi32, #tpu.memory_space<hbm>>
      %dma_wait3A_30 = tpu.memref_squeeze %dma_wait3A_29 : memref<1x8x8x128xi32, #tpu.memory_space<hbm>> -> memref<8x8x128xi32, #tpu.memory_space<hbm>>
      %dma_wait3A_31 = arith.constant 0 : i32
      %dma_wait3A_32 = arith.constant 0 : i32
      %dma_wait3A_33 = arith.constant 0 : i32
      %dma_wait3A_34 = tpu.memref_slice %arg3[%add3A, %dma_wait3A_31, %dma_wait3A_32, %dma_wait3A_33] : memref<32x8x8x128xi32, #tpu.memory_space<hbm>> -> memref<1x8x8x128xi32, #tpu.memory_space<hbm>>
      %dma_wait3A_35 = tpu.memref_squeeze %dma_wait3A_34 : memref<1x8x8x128xi32, #tpu.memory_space<hbm>> -> memref<8x8x128xi32, #tpu.memory_space<hbm>>
      tpu.wait_dma2 semaphore(%run_scoped3A : memref<!tpu.dma_semaphore, #tpu.memory_space<semaphore_mem>>) src(%dma_wait3A_35 : memref<8x8x128xi32, #tpu.memory_space<hbm>>) dst(%arg8 : memref<8x8x128xi32, #tpu.memory_space<vmem>>)
      tpu.yield
    }) : () -> ()
    %mul3A_1 = arith.constant 8 : i32
    %mul3A_2 = arith.muli %add3A, %mul3A_1 : i32
    "tpu.region"() ({
      %run_scoped3A = tpu.sem_alloc : memref<!tpu.dma_semaphore, #tpu.memory_space<semaphore_mem>>
      %dma_start3A_17 = arith.constant 0 : i32
      %dma_start3A_18 = tpu.memref_slice %arg5[%mul3A_2, %dma_start3A_17] : memref<256x256xf32, #tpu.memory_space<hbm>> -> memref<8x256xf32, #tpu.memory_space<hbm>>
      %dma_start3A_19 = arith.constant 0 : i32
      %dma_start3A_20 = tpu.memref_slice %arg5[%mul3A_2, %dma_start3A_19] : memref<256x256xf32, #tpu.memory_space<hbm>> -> memref<8x256xf32, #tpu.memory_space<hbm>>
      tpu.enqueue_dma source(%dma_start3A_20 : memref<8x256xf32, #tpu.memory_space<hbm>>) target(%arg9 : memref<8x256xf32, #tpu.memory_space<vmem>>) target_semaphore(%run_scoped3A : memref<!tpu.dma_semaphore, #tpu.memory_space<semaphore_mem>>)
      %dma_wait3A = arith.constant 0 : i32
      %dma_wait3A_21 = tpu.memref_slice %arg5[%mul3A_2, %dma_wait3A] : memref<256x256xf32, #tpu.memory_space<hbm>> -> memref<8x256xf32, #tpu.memory_space<hbm>>
      %dma_wait3A_22 = arith.constant 0 : i32
      %dma_wait3A_23 = tpu.memref_slice %arg5[%mul3A_2, %dma_wait3A_22] : memref<256x256xf32, #tpu.memory_space<hbm>> -> memref<8x256xf32, #tpu.memory_space<hbm>>
      tpu.wait_dma2 semaphore(%run_scoped3A : memref<!tpu.dma_semaphore, #tpu.memory_space<semaphore_mem>>) src(%dma_wait3A_23 : memref<8x256xf32, #tpu.memory_space<hbm>>) dst(%arg9 : memref<8x256xf32, #tpu.memory_space<vmem>>)
      tpu.yield
    }) : () -> ()
    %div3A = arith.constant 0 : i32
    %div3A_3 = arith.constant 8 : i32
    %div3A_4 = arith.divsi %div3A, %div3A_3 : i32
    %rem3A = arith.constant 0 : i32
    %rem3A_5 = arith.constant 8 : i32
    %rem3A_6 = arith.remsi %rem3A, %rem3A_5 : i32
    %dma_start3A = arith.constant 0 : i32
    %dma_start3A_7 = tpu.memref_slice %arg7[%div3A_4, %rem3A_6, %dma_start3A] : memref<8x8x128xi32, #tpu.memory_space<vmem>> -> memref<1x1x128xi32, #tpu.memory_space<vmem>>
    %dma_start3A_8 = tpu.memref_squeeze %dma_start3A_7 : memref<1x1x128xi32, #tpu.memory_space<vmem>> -> memref<128xi32, #tpu.memory_space<vmem>>
    %dma_start3A_9 = arith.constant 0 : i32
    %dma_start3A_10 = arith.constant 0 : i32
    %dma_start3A_11 = tpu.memref_slice %arg4[%dma_start3A_9, %dma_start3A_10] : memref<50257x256xf32, #tpu.memory_space<hbm>> -> memref<50257x256xf32, #tpu.memory_space<hbm>>
    tpu.enqueue_indirect_dma source(%dma_start3A_11 : memref<50257x256xf32, #tpu.memory_space<hbm>>) target(%arg10 : memref<128x256xf32, #tpu.memory_space<vmem>>) offsets(%dma_start3A_8 : memref<128xi32, #tpu.memory_space<vmem>>) semaphore(%arg12 : memref<!tpu.dma_semaphore, #tpu.memory_space<semaphore_mem>>)
    %scan3A = arith.constant 0 : i32
    %scan3A_12 = arith.constant 0 : i32
    %scan3A_13 = arith.constant 32 : i32
    %scan3A_14 = arith.addi %scan3A_12, %scan3A_13 : i32
    %scan3A_15 = arith.constant 1 : i32
    scf.for %scan3A_17 = %scan3A_12 to %scan3A_14 step %scan3A_15  : i32 {
      %mul3A_18 = arith.constant 2 : i32
      %mul3A_19 = arith.muli %mul3A_18, %scan3A_17 : i32
      %mul3A_20 = arith.constant 2 : i32
      %mul3A_21 = arith.muli %mul3A_20, %scan3A_17 : i32
      %add3A_22 = arith.constant 1 : i32
      %add3A_23 = arith.addi %mul3A_21, %add3A_22 : i32
      %div3A_24 = arith.constant 8 : i32
      %div3A_25 = arith.divsi %add3A_23, %div3A_24 : i32
      %rem3A_26 = arith.constant 8 : i32
      %rem3A_27 = arith.remsi %add3A_23, %rem3A_26 : i32
      %dma_start3A_28 = arith.constant 0 : i32
      %dma_start3A_29 = tpu.memref_slice %arg7[%div3A_25, %rem3A_27, %dma_start3A_28] : memref<8x8x128xi32, #tpu.memory_space<vmem>> -> memref<1x1x128xi32, #tpu.memory_space<vmem>>
      %dma_start3A_30 = tpu.memref_squeeze %dma_start3A_29 : memref<1x1x128xi32, #tpu.memory_space<vmem>> -> memref<128xi32, #tpu.memory_space<vmem>>
      %dma_start3A_31 = arith.constant 0 : i32
      %dma_start3A_32 = arith.constant 0 : i32
      %dma_start3A_33 = tpu.memref_slice %arg4[%dma_start3A_31, %dma_start3A_32] : memref<50257x256xf32, #tpu.memory_space<hbm>> -> memref<50257x256xf32, #tpu.memory_space<hbm>>
      tpu.enqueue_indirect_dma source(%dma_start3A_33 : memref<50257x256xf32, #tpu.memory_space<hbm>>) target(%arg11 : memref<128x256xf32, #tpu.memory_space<vmem>>) offsets(%dma_start3A_30 : memref<128xi32, #tpu.memory_space<vmem>>) semaphore(%arg13 : memref<!tpu.dma_semaphore, #tpu.memory_space<semaphore_mem>>)
      %div3A_34 = arith.constant 8 : i32
      %div3A_35 = arith.divsi %mul3A_19, %div3A_34 : i32
      %rem3A_36 = arith.constant 8 : i32
      %rem3A_37 = arith.remsi %mul3A_19, %rem3A_36 : i32
      %dma_wait3A = arith.constant 0 : i32
      %dma_wait3A_38 = tpu.memref_slice %arg7[%div3A_35, %rem3A_37, %dma_wait3A] : memref<8x8x128xi32, #tpu.memory_space<vmem>> -> memref<1x1x128xi32, #tpu.memory_space<vmem>>
      %dma_wait3A_39 = tpu.memref_squeeze %dma_wait3A_38 : memref<1x1x128xi32, #tpu.memory_space<vmem>> -> memref<128xi32, #tpu.memory_space<vmem>>
      %dma_wait3A_40 = arith.constant 0 : i32
      %dma_wait3A_41 = arith.constant 0 : i32
      %dma_wait3A_42 = tpu.memref_slice %arg4[%dma_wait3A_40, %dma_wait3A_41] : memref<50257x256xf32, #tpu.memory_space<hbm>> -> memref<50257x256xf32, #tpu.memory_space<hbm>>
      tpu.wait_indirect_dma semaphore(%arg12 : memref<!tpu.dma_semaphore, #tpu.memory_space<semaphore_mem>>) src(%dma_wait3A_42 : memref<50257x256xf32, #tpu.memory_space<hbm>>) dst(%arg10 : memref<128x256xf32, #tpu.memory_space<vmem>>)
      %div3A_43 = arith.constant 8 : i32
      %div3A_44 = arith.divsi %mul3A_19, %div3A_43 : i32
      %rem3A_45 = arith.constant 8 : i32
      %rem3A_46 = arith.remsi %mul3A_19, %rem3A_45 : i32
      %get3A = arith.index_cast %div3A_44 : i32 to index
      %get3A_47 = arith.constant 0 : index
      %get3A_48 = tpu.vector_load %arg9[%get3A, %get3A_47] {strides = array<i32>} : memref<8x256xf32, #tpu.memory_space<vmem>>, vector<1x16xf32>,
      %get3A_49 = vector.shape_cast %get3A_48 : vector<1x16xf32> to vector<16xf32>
      %get3A_50 = arith.index_cast %div3A_44 : i32 to index
      %get3A_51 = arith.constant 16 : index
      %get3A_52 = tpu.vector_load %arg9[%get3A_50, %get3A_51] {strides = array<i32>} : memref<8x256xf32, #tpu.memory_space<vmem>>, vector<1x16xf32>,
      %get3A_53 = vector.shape_cast %get3A_52 : vector<1x16xf32> to vector<16xf32>
      %get3A_54 = arith.index_cast %div3A_44 : i32 to index
      %get3A_55 = arith.constant 32 : index
      %get3A_56 = tpu.vector_load %arg9[%get3A_54, %get3A_55] {strides = array<i32>} : memref<8x256xf32, #tpu.memory_space<vmem>>, vector<1x16xf32>,
      %get3A_57 = vector.shape_cast %get3A_56 : vector<1x16xf32> to vector<16xf32>
      %get3A_58 = arith.index_cast %div3A_44 : i32 to index
      %get3A_59 = arith.constant 48 : index
      %get3A_60 = tpu.vector_load %arg9[%get3A_58, %get3A_59] {strides = array<i32>} : memref<8x256xf32, #tpu.memory_space<vmem>>, vector<1x16xf32>,
      %get3A_61 = vector.shape_cast %get3A_60 : vector<1x16xf32> to vector<16xf32>
      %get3A_62 = arith.index_cast %div3A_44 : i32 to index
      %get3A_63 = arith.constant 64 : index
      %get3A_64 = tpu.vector_load %arg9[%get3A_62, %get3A_63] {strides = array<i32>} : memref<8x256xf32, #tpu.memory_space<vmem>>, vector<1x16xf32>,
      %get3A_65 = vector.shape_cast %get3A_64 : vector<1x16xf32> to vector<16xf32>
      %get3A_66 = arith.index_cast %div3A_44 : i32 to index
      %get3A_67 = arith.constant 80 : index
      %get3A_68 = tpu.vector_load %arg9[%get3A_66, %get3A_67] {strides = array<i32>} : memref<8x256xf32, #tpu.memory_space<vmem>>, vector<1x16xf32>,
      %get3A_69 = vector.shape_cast %get3A_68 : vector<1x16xf32> to vector<16xf32>
      %get3A_70 = arith.index_cast %div3A_44 : i32 to index
      %get3A_71 = arith.constant 96 : index
      %get3A_72 = tpu.vector_load %arg9[%get3A_70, %get3A_71] {strides = array<i32>} : memref<8x256xf32, #tpu.memory_space<vmem>>, vector<1x16xf32>,
      %get3A_73 = vector.shape_cast %get3A_72 : vector<1x16xf32> to vector<16xf32>
      %get3A_74 = arith.index_cast %div3A_44 : i32 to index
      %get3A_75 = arith.constant 112 : index
      %get3A_76 = tpu.vector_load %arg9[%get3A_74, %get3A_75] {strides = array<i32>} : memref<8x256xf32, #tpu.memory_space<vmem>>, vector<1x16xf32>,
      %get3A_77 = vector.shape_cast %get3A_76 : vector<1x16xf32> to vector<16xf32>
      %get3A_78 = arith.index_cast %div3A_44 : i32 to index
      %get3A_79 = arith.constant 128 : index
      %get3A_80 = tpu.vector_load %arg9[%get3A_78, %get3A_79] {strides = array<i32>} : memref<8x256xf32, #tpu.memory_space<vmem>>, vector<1x16xf32>,
      %get3A_81 = vector.shape_cast %get3A_80 : vector<1x16xf32> to vector<16xf32>
      %get3A_82 = arith.index_cast %div3A_44 : i32 to index
      %get3A_83 = arith.constant 144 : index
      %get3A_84 = tpu.vector_load %arg9[%get3A_82, %get3A_83] {strides = array<i32>} : memref<8x256xf32, #tpu.memory_space<vmem>>, vector<1x16xf32>,
      %get3A_85 = vector.shape_cast %get3A_84 : vector<1x16xf32> to vector<16xf32>
      %get3A_86 = arith.index_cast %div3A_44 : i32 to index
      %get3A_87 = arith.constant 160 : index
      %get3A_88 = tpu.vector_load %arg9[%get3A_86, %get3A_87] {strides = array<i32>} : memref<8x256xf32, #tpu.memory_space<vmem>>, vector<1x16xf32>,
      %get3A_89 = vector.shape_cast %get3A_88 : vector<1x16xf32> to vector<16xf32>
      %get3A_90 = arith.index_cast %div3A_44 : i32 to index
      %get3A_91 = arith.constant 176 : index
      %get3A_92 = tpu.vector_load %arg9[%get3A_90, %get3A_91] {strides = array<i32>} : memref<8x256xf32, #tpu.memory_space<vmem>>, vector<1x16xf32>,
      %get3A_93 = vector.shape_cast %get3A_92 : vector<1x16xf32> to vector<16xf32>
      %get3A_94 = arith.index_cast %div3A_44 : i32 to index
      %get3A_95 = arith.constant 192 : index
      %get3A_96 = tpu.vector_load %arg9[%get3A_94, %get3A_95] {strides = array<i32>} : memref<8x256xf32, #tpu.memory_space<vmem>>, vector<1x16xf32>,
      %get3A_97 = vector.shape_cast %get3A_96 : vector<1x16xf32> to vector<16xf32>
      %get3A_98 = arith.index_cast %div3A_44 : i32 to index
      %get3A_99 = arith.constant 208 : index
      %get3A_100 = tpu.vector_load %arg9[%get3A_98, %get3A_99] {strides = array<i32>} : memref<8x256xf32, #tpu.memory_space<vmem>>, vector<1x16xf32>,
      %get3A_101 = vector.shape_cast %get3A_100 : vector<1x16xf32> to vector<16xf32>
      %get3A_102 = arith.index_cast %div3A_44 : i32 to index
      %get3A_103 = arith.constant 224 : index
      %get3A_104 = tpu.vector_load %arg9[%get3A_102, %get3A_103] {strides = array<i32>} : memref<8x256xf32, #tpu.memory_space<vmem>>, vector<1x16xf32>,
      %get3A_105 = vector.shape_cast %get3A_104 : vector<1x16xf32> to vector<16xf32>
      %get3A_106 = arith.index_cast %div3A_44 : i32 to index
      %get3A_107 = arith.constant 240 : index
      %get3A_108 = tpu.vector_load %arg9[%get3A_106, %get3A_107] {strides = array<i32>} : memref<8x256xf32, #tpu.memory_space<vmem>>, vector<1x16xf32>,
      %get3A_109 = vector.shape_cast %get3A_108 : vector<1x16xf32> to vector<16xf32>
      %parallel_loop3A = arith.constant 0 : i32
      %parallel_loop3A_110 = arith.constant 128 : i32
      %parallel_loop3A_111 = arith.constant 1 : i32
      scf.for %parallel_loop3A_221 = %parallel_loop3A to %parallel_loop3A_110 step %parallel_loop3A_111  : i32 {
        %parallel_loop3A_222 = arith.index_cast %parallel_loop3A_221 : i32 to index
        %parallel_loop3A_223 = arith.constant 0 : index
        %parallel_loop3A_224 = tpu.vector_load %arg10[%parallel_loop3A_222, %parallel_loop3A_223] {strides = array<i32>} : memref<128x256xf32, #tpu.memory_space<vmem>>, vector<1x16xf32>,
        %parallel_loop3A_225 = vector.shape_cast %parallel_loop3A_224 : vector<1x16xf32> to vector<16xf32>
        %parallel_loop3A_226 = vector.shape_cast %get3A_49 : vector<16xf32> to vector<1x16xf32>
        tpu.vector_store %arg10[%parallel_loop3A_222, %parallel_loop3A_223], %parallel_loop3A_226 {add = true, strides = array<i32>} : memref<128x256xf32, #tpu.memory_space<vmem>>, vector<1x16xf32>,
        %parallel_loop3A_227 = arith.index_cast %parallel_loop3A_221 : i32 to index
        %parallel_loop3A_228 = arith.constant 16 : index
        %parallel_loop3A_229 = tpu.vector_load %arg10[%parallel_loop3A_227, %parallel_loop3A_228] {strides = array<i32>} : memref<128x256xf32, #tpu.memory_space<vmem>>, vector<1x16xf32>,
        %parallel_loop3A_230 = vector.shape_cast %parallel_loop3A_229 : vector<1x16xf32> to vector<16xf32>
        %parallel_loop3A_231 = vector.shape_cast %get3A_53 : vector<16xf32> to vector<1x16xf32>
        tpu.vector_store %arg10[%parallel_loop3A_227, %parallel_loop3A_228], %parallel_loop3A_231 {add = true, strides = array<i32>} : memref<128x256xf32, #tpu.memory_space<vmem>>, vector<1x16xf32>,
        %parallel_loop3A_232 = arith.index_cast %parallel_loop3A_221 : i32 to index
        %parallel_loop3A_233 = arith.constant 32 : index
        %parallel_loop3A_234 = tpu.vector_load %arg10[%parallel_loop3A_232, %parallel_loop3A_233] {strides = array<i32>} : memref<128x256xf32, #tpu.memory_space<vmem>>, vector<1x16xf32>,
        %parallel_loop3A_235 = vector.shape_cast %parallel_loop3A_234 : vector<1x16xf32> to vector<16xf32>
        %parallel_loop3A_236 = vector.shape_cast %get3A_57 : vector<16xf32> to vector<1x16xf32>
        tpu.vector_store %arg10[%parallel_loop3A_232, %parallel_loop3A_233], %parallel_loop3A_236 {add = true, strides = array<i32>} : memref<128x256xf32, #tpu.memory_space<vmem>>, vector<1x16xf32>,
        %parallel_loop3A_237 = arith.index_cast %parallel_loop3A_221 : i32 to index
        %parallel_loop3A_238 = arith.constant 48 : index
        %parallel_loop3A_239 = tpu.vector_load %arg10[%parallel_loop3A_237, %parallel_loop3A_238] {strides = array<i32>} : memref<128x256xf32, #tpu.memory_space<vmem>>, vector<1x16xf32>,
        %parallel_loop3A_240 = vector.shape_cast %parallel_loop3A_239 : vector<1x16xf32> to vector<16xf32>
        %parallel_loop3A_241 = vector.shape_cast %get3A_61 : vector<16xf32> to vector<1x16xf32>
        tpu.vector_store %arg10[%parallel_loop3A_237, %parallel_loop3A_238], %parallel_loop3A_241 {add = true, strides = array<i32>} : memref<128x256xf32, #tpu.memory_space<vmem>>, vector<1x16xf32>,
        %parallel_loop3A_242 = arith.index_cast %parallel_loop3A_221 : i32 to index
        %parallel_loop3A_243 = arith.constant 64 : index
        %parallel_loop3A_244 = tpu.vector_load %arg10[%parallel_loop3A_242, %parallel_loop3A_243] {strides = array<i32>} : memref<128x256xf32, #tpu.memory_space<vmem>>, vector<1x16xf32>,
        %parallel_loop3A_245 = vector.shape_cast %parallel_loop3A_244 : vector<1x16xf32> to vector<16xf32>
        %parallel_loop3A_246 = vector.shape_cast %get3A_65 : vector<16xf32> to vector<1x16xf32>
        tpu.vector_store %arg10[%parallel_loop3A_242, %parallel_loop3A_243], %parallel_loop3A_246 {add = true, strides = array<i32>} : memref<128x256xf32, #tpu.memory_space<vmem>>, vector<1x16xf32>,
        %parallel_loop3A_247 = arith.index_cast %parallel_loop3A_221 : i32 to index
        %parallel_loop3A_248 = arith.constant 80 : index
        %parallel_loop3A_249 = tpu.vector_load %arg10[%parallel_loop3A_247, %parallel_loop3A_248] {strides = array<i32>} : memref<128x256xf32, #tpu.memory_space<vmem>>, vector<1x16xf32>,
        %parallel_loop3A_250 = vector.shape_cast %parallel_loop3A_249 : vector<1x16xf32> to vector<16xf32>
        %parallel_loop3A_251 = vector.shape_cast %get3A_69 : vector<16xf32> to vector<1x16xf32>
        tpu.vector_store %arg10[%parallel_loop3A_247, %parallel_loop3A_248], %parallel_loop3A_251 {add = true, strides = array<i32>} : memref<128x256xf32, #tpu.memory_space<vmem>>, vector<1x16xf32>,
        %parallel_loop3A_252 = arith.index_cast %parallel_loop3A_221 : i32 to index
        %parallel_loop3A_253 = arith.constant 96 : index
        %parallel_loop3A_254 = tpu.vector_load %arg10[%parallel_loop3A_252, %parallel_loop3A_253] {strides = array<i32>} : memref<128x256xf32, #tpu.memory_space<vmem>>, vector<1x16xf32>,
        %parallel_loop3A_255 = vector.shape_cast %parallel_loop3A_254 : vector<1x16xf32> to vector<16xf32>
        %parallel_loop3A_256 = vector.shape_cast %get3A_73 : vector<16xf32> to vector<1x16xf32>
        tpu.vector_store %arg10[%parallel_loop3A_252, %parallel_loop3A_253], %parallel_loop3A_256 {add = true, strides = array<i32>} : memref<128x256xf32, #tpu.memory_space<vmem>>, vector<1x16xf32>,
        %parallel_loop3A_257 = arith.index_cast %parallel_loop3A_221 : i32 to index
        %parallel_loop3A_258 = arith.constant 112 : index
        %parallel_loop3A_259 = tpu.vector_load %arg10[%parallel_loop3A_257, %parallel_loop3A_258] {strides = array<i32>} : memref<128x256xf32, #tpu.memory_space<vmem>>, vector<1x16xf32>,
        %parallel_loop3A_260 = vector.shape_cast %parallel_loop3A_259 : vector<1x16xf32> to vector<16xf32>
        %parallel_loop3A_261 = vector.shape_cast %get3A_77 : vector<16xf32> to vector<1x16xf32>
        tpu.vector_store %arg10[%parallel_loop3A_257, %parallel_loop3A_258], %parallel_loop3A_261 {add = true, strides = array<i32>} : memref<128x256xf32, #tpu.memory_space<vmem>>, vector<1x16xf32>,
        %parallel_loop3A_262 = arith.index_cast %parallel_loop3A_221 : i32 to index
        %parallel_loop3A_263 = arith.constant 128 : index
        %parallel_loop3A_264 = tpu.vector_load %arg10[%parallel_loop3A_262, %parallel_loop3A_263] {strides = array<i32>} : memref<128x256xf32, #tpu.memory_space<vmem>>, vector<1x16xf32>,
        %parallel_loop3A_265 = vector.shape_cast %parallel_loop3A_264 : vector<1x16xf32> to vector<16xf32>
        %parallel_loop3A_266 = vector.shape_cast %get3A_81 : vector<16xf32> to vector<1x16xf32>
        tpu.vector_store %arg10[%parallel_loop3A_262, %parallel_loop3A_263], %parallel_loop3A_266 {add = true, strides = array<i32>} : memref<128x256xf32, #tpu.memory_space<vmem>>, vector<1x16xf32>,
        %parallel_loop3A_267 = arith.index_cast %parallel_loop3A_221 : i32 to index
        %parallel_loop3A_268 = arith.constant 144 : index
        %parallel_loop3A_269 = tpu.vector_load %arg10[%parallel_loop3A_267, %parallel_loop3A_268] {strides = array<i32>} : memref<128x256xf32, #tpu.memory_space<vmem>>, vector<1x16xf32>,
        %parallel_loop3A_270 = vector.shape_cast %parallel_loop3A_269 : vector<1x16xf32> to vector<16xf32>
        %parallel_loop3A_271 = vector.shape_cast %get3A_85 : vector<16xf32> to vector<1x16xf32>
        tpu.vector_store %arg10[%parallel_loop3A_267, %parallel_loop3A_268], %parallel_loop3A_271 {add = true, strides = array<i32>} : memref<128x256xf32, #tpu.memory_space<vmem>>, vector<1x16xf32>,
        %parallel_loop3A_272 = arith.index_cast %parallel_loop3A_221 : i32 to index
        %parallel_loop3A_273 = arith.constant 160 : index
        %parallel_loop3A_274 = tpu.vector_load %arg10[%parallel_loop3A_272, %parallel_loop3A_273] {strides = array<i32>} : memref<128x256xf32, #tpu.memory_space<vmem>>, vector<1x16xf32>,
        %parallel_loop3A_275 = vector.shape_cast %parallel_loop3A_274 : vector<1x16xf32> to vector<16xf32>
        %parallel_loop3A_276 = vector.shape_cast %get3A_89 : vector<16xf32> to vector<1x16xf32>
        tpu.vector_store %arg10[%parallel_loop3A_272, %parallel_loop3A_273], %parallel_loop3A_276 {add = true, strides = array<i32>} : memref<128x256xf32, #tpu.memory_space<vmem>>, vector<1x16xf32>,
        %parallel_loop3A_277 = arith.index_cast %parallel_loop3A_221 : i32 to index
        %parallel_loop3A_278 = arith.constant 176 : index
        %parallel_loop3A_279 = tpu.vector_load %arg10[%parallel_loop3A_277, %parallel_loop3A_278] {strides = array<i32>} : memref<128x256xf32, #tpu.memory_space<vmem>>, vector<1x16xf32>,
        %parallel_loop3A_280 = vector.shape_cast %parallel_loop3A_279 : vector<1x16xf32> to vector<16xf32>
        %parallel_loop3A_281 = vector.shape_cast %get3A_93 : vector<16xf32> to vector<1x16xf32>
        tpu.vector_store %arg10[%parallel_loop3A_277, %parallel_loop3A_278], %parallel_loop3A_281 {add = true, strides = array<i32>} : memref<128x256xf32, #tpu.memory_space<vmem>>, vector<1x16xf32>,
        %parallel_loop3A_282 = arith.index_cast %parallel_loop3A_221 : i32 to index
        %parallel_loop3A_283 = arith.constant 192 : index
        %parallel_loop3A_284 = tpu.vector_load %arg10[%parallel_loop3A_282, %parallel_loop3A_283] {strides = array<i32>} : memref<128x256xf32, #tpu.memory_space<vmem>>, vector<1x16xf32>,
        %parallel_loop3A_285 = vector.shape_cast %parallel_loop3A_284 : vector<1x16xf32> to vector<16xf32>
        %parallel_loop3A_286 = vector.shape_cast %get3A_97 : vector<16xf32> to vector<1x16xf32>
        tpu.vector_store %arg10[%parallel_loop3A_282, %parallel_loop3A_283], %parallel_loop3A_286 {add = true, strides = array<i32>} : memref<128x256xf32, #tpu.memory_space<vmem>>, vector<1x16xf32>,
        %parallel_loop3A_287 = arith.index_cast %parallel_loop3A_221 : i32 to index
        %parallel_loop3A_288 = arith.constant 208 : index
        %parallel_loop3A_289 = tpu.vector_load %arg10[%parallel_loop3A_287, %parallel_loop3A_288] {strides = array<i32>} : memref<128x256xf32, #tpu.memory_space<vmem>>, vector<1x16xf32>,
        %parallel_loop3A_290 = vector.shape_cast %parallel_loop3A_289 : vector<1x16xf32> to vector<16xf32>
        %parallel_loop3A_291 = vector.shape_cast %get3A_101 : vector<16xf32> to vector<1x16xf32>
        tpu.vector_store %arg10[%parallel_loop3A_287, %parallel_loop3A_288], %parallel_loop3A_291 {add = true, strides = array<i32>} : memref<128x256xf32, #tpu.memory_space<vmem>>, vector<1x16xf32>,
        %parallel_loop3A_292 = arith.index_cast %parallel_loop3A_221 : i32 to index
        %parallel_loop3A_293 = arith.constant 224 : index
        %parallel_loop3A_294 = tpu.vector_load %arg10[%parallel_loop3A_292, %parallel_loop3A_293] {strides = array<i32>} : memref<128x256xf32, #tpu.memory_space<vmem>>, vector<1x16xf32>,
        %parallel_loop3A_295 = vector.shape_cast %parallel_loop3A_294 : vector<1x16xf32> to vector<16xf32>
        %parallel_loop3A_296 = vector.shape_cast %get3A_105 : vector<16xf32> to vector<1x16xf32>
        tpu.vector_store %arg10[%parallel_loop3A_292, %parallel_loop3A_293], %parallel_loop3A_296 {add = true, strides = array<i32>} : memref<128x256xf32, #tpu.memory_space<vmem>>, vector<1x16xf32>,
        %parallel_loop3A_297 = arith.index_cast %parallel_loop3A_221 : i32 to index
        %parallel_loop3A_298 = arith.constant 240 : index
        %parallel_loop3A_299 = tpu.vector_load %arg10[%parallel_loop3A_297, %parallel_loop3A_298] {strides = array<i32>} : memref<128x256xf32, #tpu.memory_space<vmem>>, vector<1x16xf32>,
        %parallel_loop3A_300 = vector.shape_cast %parallel_loop3A_299 : vector<1x16xf32> to vector<16xf32>
        %parallel_loop3A_301 = vector.shape_cast %get3A_109 : vector<16xf32> to vector<1x16xf32>
        tpu.vector_store %arg10[%parallel_loop3A_297, %parallel_loop3A_298], %parallel_loop3A_301 {add = true, strides = array<i32>} : memref<128x256xf32, #tpu.memory_space<vmem>>, vector<1x16xf32>,
      } {sc.loop_unroll_factor = 2 : i64, sc.parallel_access}
      %dma_start3A_112 = arith.constant 0 : i32
      %dma_start3A_113 = tpu.memref_slice %arg8[%div3A_44, %rem3A_46, %dma_start3A_112] : memref<8x8x128xi32, #tpu.memory_space<vmem>> -> memref<1x1x128xi32, #tpu.memory_space<vmem>>
      %dma_start3A_114 = tpu.memref_squeeze %dma_start3A_113 : memref<1x1x128xi32, #tpu.memory_space<vmem>> -> memref<128xi32, #tpu.memory_space<vmem>>
      %dma_start3A_115 = arith.constant 0 : i32
      %dma_start3A_116 = arith.constant 0 : i32
      %dma_start3A_117 = tpu.memref_slice %arg6[%dma_start3A_115, %dma_start3A_116] : memref<262144x256xf32, #tpu.memory_space<hbm>> -> memref<262144x256xf32, #tpu.memory_space<hbm>>
      tpu.enqueue_indirect_dma source(%arg10 : memref<128x256xf32, #tpu.memory_space<vmem>>) target(%dma_start3A_117 : memref<262144x256xf32, #tpu.memory_space<hbm>>) offsets(%dma_start3A_114 : memref<128xi32, #tpu.memory_space<vmem>>) semaphore(%arg14 : memref<!tpu.dma_semaphore, #tpu.memory_space<semaphore_mem>>)
      %dma_wait3A_118 = arith.constant 0 : i32
      %dma_wait3A_119 = tpu.memref_slice %arg8[%div3A_44, %rem3A_46, %dma_wait3A_118] : memref<8x8x128xi32, #tpu.memory_space<vmem>> -> memref<1x1x128xi32, #tpu.memory_space<vmem>>
      %dma_wait3A_120 = tpu.memref_squeeze %dma_wait3A_119 : memref<1x1x128xi32, #tpu.memory_space<vmem>> -> memref<128xi32, #tpu.memory_space<vmem>>
      %dma_wait3A_121 = arith.constant 0 : i32
      %dma_wait3A_122 = arith.constant 0 : i32
      %dma_wait3A_123 = tpu.memref_slice %arg6[%dma_wait3A_121, %dma_wait3A_122] : memref<262144x256xf32, #tpu.memory_space<hbm>> -> memref<262144x256xf32, #tpu.memory_space<hbm>>
      tpu.wait_indirect_dma semaphore(%arg14 : memref<!tpu.dma_semaphore, #tpu.memory_space<semaphore_mem>>) src(%arg10 : memref<128x256xf32, #tpu.memory_space<vmem>>) dst(%dma_wait3A_123 : memref<262144x256xf32, #tpu.memory_space<hbm>>)
      %add3A_124 = arith.constant 2 : i32
      %add3A_125 = arith.addi %mul3A_19, %add3A_124 : i32
      %lt3A = arith.constant 64 : i32
      %lt3A_126 = arith.cmpi slt, %add3A_125, %lt3A : i32
      %convert_element_type3A = arith.extui %lt3A_126 : i1 to i32
      %cond3A = arith.constant 0 : i32
      %cond3A_127 = arith.cmpi ne, %convert_element_type3A, %cond3A : i32
      scf.if %cond3A_127 {
        %add3A_221 = arith.constant 2 : i32
        %add3A_222 = arith.addi %mul3A_19, %add3A_221 : i32
        %div3A_223 = arith.constant 8 : i32
        %div3A_224 = arith.divsi %add3A_222, %div3A_223 : i32
        %rem3A_225 = arith.constant 8 : i32
        %rem3A_226 = arith.remsi %add3A_222, %rem3A_225 : i32
        %dma_start3A_227 = arith.constant 0 : i32
        %dma_start3A_228 = tpu.memref_slice %arg7[%div3A_224, %rem3A_226, %dma_start3A_227] : memref<8x8x128xi32, #tpu.memory_space<vmem>> -> memref<1x1x128xi32, #tpu.memory_space<vmem>>
        %dma_start3A_229 = tpu.memref_squeeze %dma_start3A_228 : memref<1x1x128xi32, #tpu.memory_space<vmem>> -> memref<128xi32, #tpu.memory_space<vmem>>
        %dma_start3A_230 = arith.constant 0 : i32
        %dma_start3A_231 = arith.constant 0 : i32
        %dma_start3A_232 = tpu.memref_slice %arg4[%dma_start3A_230, %dma_start3A_231] : memref<50257x256xf32, #tpu.memory_space<hbm>> -> memref<50257x256xf32, #tpu.memory_space<hbm>>
        tpu.enqueue_indirect_dma source(%dma_start3A_232 : memref<50257x256xf32, #tpu.memory_space<hbm>>) target(%arg10 : memref<128x256xf32, #tpu.memory_space<vmem>>) offsets(%dma_start3A_229 : memref<128xi32, #tpu.memory_space<vmem>>) semaphore(%arg12 : memref<!tpu.dma_semaphore, #tpu.memory_space<semaphore_mem>>)
      } else {
      }
      %div3A_128 = arith.constant 8 : i32
      %div3A_129 = arith.divsi %add3A_23, %div3A_128 : i32
      %rem3A_130 = arith.constant 8 : i32
      %rem3A_131 = arith.remsi %add3A_23, %rem3A_130 : i32
      %dma_wait3A_132 = arith.constant 0 : i32
      %dma_wait3A_133 = tpu.memref_slice %arg7[%div3A_129, %rem3A_131, %dma_wait3A_132] : memref<8x8x128xi32, #tpu.memory_space<vmem>> -> memref<1x1x128xi32, #tpu.memory_space<vmem>>
      %dma_wait3A_134 = tpu.memref_squeeze %dma_wait3A_133 : memref<1x1x128xi32, #tpu.memory_space<vmem>> -> memref<128xi32, #tpu.memory_space<vmem>>
      %dma_wait3A_135 = arith.constant 0 : i32
      %dma_wait3A_136 = arith.constant 0 : i32
      %dma_wait3A_137 = tpu.memref_slice %arg4[%dma_wait3A_135, %dma_wait3A_136] : memref<50257x256xf32, #tpu.memory_space<hbm>> -> memref<50257x256xf32, #tpu.memory_space<hbm>>
      tpu.wait_indirect_dma semaphore(%arg13 : memref<!tpu.dma_semaphore, #tpu.memory_space<semaphore_mem>>) src(%dma_wait3A_137 : memref<50257x256xf32, #tpu.memory_space<hbm>>) dst(%arg11 : memref<128x256xf32, #tpu.memory_space<vmem>>)
      %div3A_138 = arith.constant 8 : i32
      %div3A_139 = arith.divsi %add3A_23, %div3A_138 : i32
      %rem3A_140 = arith.constant 8 : i32
      %rem3A_141 = arith.remsi %add3A_23, %rem3A_140 : i32
      %get3A_142 = arith.index_cast %div3A_139 : i32 to index
      %get3A_143 = arith.constant 0 : index
      %get3A_144 = tpu.vector_load %arg9[%get3A_142, %get3A_143] {strides = array<i32>} : memref<8x256xf32, #tpu.memory_space<vmem>>, vector<1x16xf32>,
      %get3A_145 = vector.shape_cast %get3A_144 : vector<1x16xf32> to vector<16xf32>
      %get3A_146 = arith.index_cast %div3A_139 : i32 to index
      %get3A_147 = arith.constant 16 : index
      %get3A_148 = tpu.vector_load %arg9[%get3A_146, %get3A_147] {strides = array<i32>} : memref<8x256xf32, #tpu.memory_space<vmem>>, vector<1x16xf32>,
      %get3A_149 = vector.shape_cast %get3A_148 : vector<1x16xf32> to vector<16xf32>
      %get3A_150 = arith.index_cast %div3A_139 : i32 to index
      %get3A_151 = arith.constant 32 : index
      %get3A_152 = tpu.vector_load %arg9[%get3A_150, %get3A_151] {strides = array<i32>} : memref<8x256xf32, #tpu.memory_space<vmem>>, vector<1x16xf32>,
      %get3A_153 = vector.shape_cast %get3A_152 : vector<1x16xf32> to vector<16xf32>
      %get3A_154 = arith.index_cast %div3A_139 : i32 to index
      %get3A_155 = arith.constant 48 : index
      %get3A_156 = tpu.vector_load %arg9[%get3A_154, %get3A_155] {strides = array<i32>} : memref<8x256xf32, #tpu.memory_space<vmem>>, vector<1x16xf32>,
      %get3A_157 = vector.shape_cast %get3A_156 : vector<1x16xf32> to vector<16xf32>
      %get3A_158 = arith.index_cast %div3A_139 : i32 to index
      %get3A_159 = arith.constant 64 : index
      %get3A_160 = tpu.vector_load %arg9[%get3A_158, %get3A_159] {strides = array<i32>} : memref<8x256xf32, #tpu.memory_space<vmem>>, vector<1x16xf32>,
      %get3A_161 = vector.shape_cast %get3A_160 : vector<1x16xf32> to vector<16xf32>
      %get3A_162 = arith.index_cast %div3A_139 : i32 to index
      %get3A_163 = arith.constant 80 : index
      %get3A_164 = tpu.vector_load %arg9[%get3A_162, %get3A_163] {strides = array<i32>} : memref<8x256xf32, #tpu.memory_space<vmem>>, vector<1x16xf32>,
      %get3A_165 = vector.shape_cast %get3A_164 : vector<1x16xf32> to vector<16xf32>
      %get3A_166 = arith.index_cast %div3A_139 : i32 to index
      %get3A_167 = arith.constant 96 : index
      %get3A_168 = tpu.vector_load %arg9[%get3A_166, %get3A_167] {strides = array<i32>} : memref<8x256xf32, #tpu.memory_space<vmem>>, vector<1x16xf32>,
      %get3A_169 = vector.shape_cast %get3A_168 : vector<1x16xf32> to vector<16xf32>
      %get3A_170 = arith.index_cast %div3A_139 : i32 to index
      %get3A_171 = arith.constant 112 : index
      %get3A_172 = tpu.vector_load %arg9[%get3A_170, %get3A_171] {strides = array<i32>} : memref<8x256xf32, #tpu.memory_space<vmem>>, vector<1x16xf32>,
      %get3A_173 = vector.shape_cast %get3A_172 : vector<1x16xf32> to vector<16xf32>
      %get3A_174 = arith.index_cast %div3A_139 : i32 to index
      %get3A_175 = arith.constant 128 : index
      %get3A_176 = tpu.vector_load %arg9[%get3A_174, %get3A_175] {strides = array<i32>} : memref<8x256xf32, #tpu.memory_space<vmem>>, vector<1x16xf32>,
      %get3A_177 = vector.shape_cast %get3A_176 : vector<1x16xf32> to vector<16xf32>
      %get3A_178 = arith.index_cast %div3A_139 : i32 to index
      %get3A_179 = arith.constant 144 : index
      %get3A_180 = tpu.vector_load %arg9[%get3A_178, %get3A_179] {strides = array<i32>} : memref<8x256xf32, #tpu.memory_space<vmem>>, vector<1x16xf32>,
      %get3A_181 = vector.shape_cast %get3A_180 : vector<1x16xf32> to vector<16xf32>
      %get3A_182 = arith.index_cast %div3A_139 : i32 to index
      %get3A_183 = arith.constant 160 : index
      %get3A_184 = tpu.vector_load %arg9[%get3A_182, %get3A_183] {strides = array<i32>} : memref<8x256xf32, #tpu.memory_space<vmem>>, vector<1x16xf32>,
      %get3A_185 = vector.shape_cast %get3A_184 : vector<1x16xf32> to vector<16xf32>
      %get3A_186 = arith.index_cast %div3A_139 : i32 to index
      %get3A_187 = arith.constant 176 : index
      %get3A_188 = tpu.vector_load %arg9[%get3A_186, %get3A_187] {strides = array<i32>} : memref<8x256xf32, #tpu.memory_space<vmem>>, vector<1x16xf32>,
      %get3A_189 = vector.shape_cast %get3A_188 : vector<1x16xf32> to vector<16xf32>
      %get3A_190 = arith.index_cast %div3A_139 : i32 to index
      %get3A_191 = arith.constant 192 : index
      %get3A_192 = tpu.vector_load %arg9[%get3A_190, %get3A_191] {strides = array<i32>} : memref<8x256xf32, #tpu.memory_space<vmem>>, vector<1x16xf32>,
      %get3A_193 = vector.shape_cast %get3A_192 : vector<1x16xf32> to vector<16xf32>
      %get3A_194 = arith.index_cast %div3A_139 : i32 to index
      %get3A_195 = arith.constant 208 : index
      %get3A_196 = tpu.vector_load %arg9[%get3A_194, %get3A_195] {strides = array<i32>} : memref<8x256xf32, #tpu.memory_space<vmem>>, vector<1x16xf32>,
      %get3A_197 = vector.shape_cast %get3A_196 : vector<1x16xf32> to vector<16xf32>
      %get3A_198 = arith.index_cast %div3A_139 : i32 to index
      %get3A_199 = arith.constant 224 : index
      %get3A_200 = tpu.vector_load %arg9[%get3A_198, %get3A_199] {strides = array<i32>} : memref<8x256xf32, #tpu.memory_space<vmem>>, vector<1x16xf32>,
      %get3A_201 = vector.shape_cast %get3A_200 : vector<1x16xf32> to vector<16xf32>
      %get3A_202 = arith.index_cast %div3A_139 : i32 to index
      %get3A_203 = arith.constant 240 : index
      %get3A_204 = tpu.vector_load %arg9[%get3A_202, %get3A_203] {strides = array<i32>} : memref<8x256xf32, #tpu.memory_space<vmem>>, vector<1x16xf32>,
      %get3A_205 = vector.shape_cast %get3A_204 : vector<1x16xf32> to vector<16xf32>
      %parallel_loop3A_206 = arith.constant 0 : i32
      %parallel_loop3A_207 = arith.constant 128 : i32
      %parallel_loop3A_208 = arith.constant 1 : i32
      scf.for %parallel_loop3A_221 = %parallel_loop3A_206 to %parallel_loop3A_207 step %parallel_loop3A_208  : i32 {
        %parallel_loop3A_222 = arith.index_cast %parallel_loop3A_221 : i32 to index
        %parallel_loop3A_223 = arith.constant 0 : index
        %parallel_loop3A_224 = tpu.vector_load %arg11[%parallel_loop3A_222, %parallel_loop3A_223] {strides = array<i32>} : memref<128x256xf32, #tpu.memory_space<vmem>>, vector<1x16xf32>,
        %parallel_loop3A_225 = vector.shape_cast %parallel_loop3A_224 : vector<1x16xf32> to vector<16xf32>
        %parallel_loop3A_226 = vector.shape_cast %get3A_145 : vector<16xf32> to vector<1x16xf32>
        tpu.vector_store %arg11[%parallel_loop3A_222, %parallel_loop3A_223], %parallel_loop3A_226 {add = true, strides = array<i32>} : memref<128x256xf32, #tpu.memory_space<vmem>>, vector<1x16xf32>,
        %parallel_loop3A_227 = arith.index_cast %parallel_loop3A_221 : i32 to index
        %parallel_loop3A_228 = arith.constant 16 : index
        %parallel_loop3A_229 = tpu.vector_load %arg11[%parallel_loop3A_227, %parallel_loop3A_228] {strides = array<i32>} : memref<128x256xf32, #tpu.memory_space<vmem>>, vector<1x16xf32>,
        %parallel_loop3A_230 = vector.shape_cast %parallel_loop3A_229 : vector<1x16xf32> to vector<16xf32>
        %parallel_loop3A_231 = vector.shape_cast %get3A_149 : vector<16xf32> to vector<1x16xf32>
        tpu.vector_store %arg11[%parallel_loop3A_227, %parallel_loop3A_228], %parallel_loop3A_231 {add = true, strides = array<i32>} : memref<128x256xf32, #tpu.memory_space<vmem>>, vector<1x16xf32>,
        %parallel_loop3A_232 = arith.index_cast %parallel_loop3A_221 : i32 to index
        %parallel_loop3A_233 = arith.constant 32 : index
        %parallel_loop3A_234 = tpu.vector_load %arg11[%parallel_loop3A_232, %parallel_loop3A_233] {strides = array<i32>} : memref<128x256xf32, #tpu.memory_space<vmem>>, vector<1x16xf32>,
        %parallel_loop3A_235 = vector.shape_cast %parallel_loop3A_234 : vector<1x16xf32> to vector<16xf32>
        %parallel_loop3A_236 = vector.shape_cast %get3A_153 : vector<16xf32> to vector<1x16xf32>
        tpu.vector_store %arg11[%parallel_loop3A_232, %parallel_loop3A_233], %parallel_loop3A_236 {add = true, strides = array<i32>} : memref<128x256xf32, #tpu.memory_space<vmem>>, vector<1x16xf32>,
        %parallel_loop3A_237 = arith.index_cast %parallel_loop3A_221 : i32 to index
        %parallel_loop3A_238 = arith.constant 48 : index
        %parallel_loop3A_239 = tpu.vector_load %arg11[%parallel_loop3A_237, %parallel_loop3A_238] {strides = array<i32>} : memref<128x256xf32, #tpu.memory_space<vmem>>, vector<1x16xf32>,
        %parallel_loop3A_240 = vector.shape_cast %parallel_loop3A_239 : vector<1x16xf32> to vector<16xf32>
        %parallel_loop3A_241 = vector.shape_cast %get3A_157 : vector<16xf32> to vector<1x16xf32>
        tpu.vector_store %arg11[%parallel_loop3A_237, %parallel_loop3A_238], %parallel_loop3A_241 {add = true, strides = array<i32>} : memref<128x256xf32, #tpu.memory_space<vmem>>, vector<1x16xf32>,
        %parallel_loop3A_242 = arith.index_cast %parallel_loop3A_221 : i32 to index
        %parallel_loop3A_243 = arith.constant 64 : index
        %parallel_loop3A_244 = tpu.vector_load %arg11[%parallel_loop3A_242, %parallel_loop3A_243] {strides = array<i32>} : memref<128x256xf32, #tpu.memory_space<vmem>>, vector<1x16xf32>,
        %parallel_loop3A_245 = vector.shape_cast %parallel_loop3A_244 : vector<1x16xf32> to vector<16xf32>
        %parallel_loop3A_246 = vector.shape_cast %get3A_161 : vector<16xf32> to vector<1x16xf32>
        tpu.vector_store %arg11[%parallel_loop3A_242, %parallel_loop3A_243], %parallel_loop3A_246 {add = true, strides = array<i32>} : memref<128x256xf32, #tpu.memory_space<vmem>>, vector<1x16xf32>,
        %parallel_loop3A_247 = arith.index_cast %parallel_loop3A_221 : i32 to index
        %parallel_loop3A_248 = arith.constant 80 : index
        %parallel_loop3A_249 = tpu.vector_load %arg11[%parallel_loop3A_247, %parallel_loop3A_248] {strides = array<i32>} : memref<128x256xf32, #tpu.memory_space<vmem>>, vector<1x16xf32>,
        %parallel_loop3A_250 = vector.shape_cast %parallel_loop3A_249 : vector<1x16xf32> to vector<16xf32>
        %parallel_loop3A_251 = vector.shape_cast %get3A_165 : vector<16xf32> to vector<1x16xf32>
        tpu.vector_store %arg11[%parallel_loop3A_247, %parallel_loop3A_248], %parallel_loop3A_251 {add = true, strides = array<i32>} : memref<128x256xf32, #tpu.memory_space<vmem>>, vector<1x16xf32>,
        %parallel_loop3A_252 = arith.index_cast %parallel_loop3A_221 : i32 to index
        %parallel_loop3A_253 = arith.constant 96 : index
        %parallel_loop3A_254 = tpu.vector_load %arg11[%parallel_loop3A_252, %parallel_loop3A_253] {strides = array<i32>} : memref<128x256xf32, #tpu.memory_space<vmem>>, vector<1x16xf32>,
        %parallel_loop3A_255 = vector.shape_cast %parallel_loop3A_254 : vector<1x16xf32> to vector<16xf32>
        %parallel_loop3A_256 = vector.shape_cast %get3A_169 : vector<16xf32> to vector<1x16xf32>
        tpu.vector_store %arg11[%parallel_loop3A_252, %parallel_loop3A_253], %parallel_loop3A_256 {add = true, strides = array<i32>} : memref<128x256xf32, #tpu.memory_space<vmem>>, vector<1x16xf32>,
        %parallel_loop3A_257 = arith.index_cast %parallel_loop3A_221 : i32 to index
        %parallel_loop3A_258 = arith.constant 112 : index
        %parallel_loop3A_259 = tpu.vector_load %arg11[%parallel_loop3A_257, %parallel_loop3A_258] {strides = array<i32>} : memref<128x256xf32, #tpu.memory_space<vmem>>, vector<1x16xf32>,
        %parallel_loop3A_260 = vector.shape_cast %parallel_loop3A_259 : vector<1x16xf32> to vector<16xf32>
        %parallel_loop3A_261 = vector.shape_cast %get3A_173 : vector<16xf32> to vector<1x16xf32>
        tpu.vector_store %arg11[%parallel_loop3A_257, %parallel_loop3A_258], %parallel_loop3A_261 {add = true, strides = array<i32>} : memref<128x256xf32, #tpu.memory_space<vmem>>, vector<1x16xf32>,
        %parallel_loop3A_262 = arith.index_cast %parallel_loop3A_221 : i32 to index
        %parallel_loop3A_263 = arith.constant 128 : index
        %parallel_loop3A_264 = tpu.vector_load %arg11[%parallel_loop3A_262, %parallel_loop3A_263] {strides = array<i32>} : memref<128x256xf32, #tpu.memory_space<vmem>>, vector<1x16xf32>,
        %parallel_loop3A_265 = vector.shape_cast %parallel_loop3A_264 : vector<1x16xf32> to vector<16xf32>
        %parallel_loop3A_266 = vector.shape_cast %get3A_177 : vector<16xf32> to vector<1x16xf32>
        tpu.vector_store %arg11[%parallel_loop3A_262, %parallel_loop3A_263], %parallel_loop3A_266 {add = true, strides = array<i32>} : memref<128x256xf32, #tpu.memory_space<vmem>>, vector<1x16xf32>,
        %parallel_loop3A_267 = arith.index_cast %parallel_loop3A_221 : i32 to index
        %parallel_loop3A_268 = arith.constant 144 : index
        %parallel_loop3A_269 = tpu.vector_load %arg11[%parallel_loop3A_267, %parallel_loop3A_268] {strides = array<i32>} : memref<128x256xf32, #tpu.memory_space<vmem>>, vector<1x16xf32>,
        %parallel_loop3A_270 = vector.shape_cast %parallel_loop3A_269 : vector<1x16xf32> to vector<16xf32>
        %parallel_loop3A_271 = vector.shape_cast %get3A_181 : vector<16xf32> to vector<1x16xf32>
        tpu.vector_store %arg11[%parallel_loop3A_267, %parallel_loop3A_268], %parallel_loop3A_271 {add = true, strides = array<i32>} : memref<128x256xf32, #tpu.memory_space<vmem>>, vector<1x16xf32>,
        %parallel_loop3A_272 = arith.index_cast %parallel_loop3A_221 : i32 to index
        %parallel_loop3A_273 = arith.constant 160 : index
        %parallel_loop3A_274 = tpu.vector_load %arg11[%parallel_loop3A_272, %parallel_loop3A_273] {strides = array<i32>} : memref<128x256xf32, #tpu.memory_space<vmem>>, vector<1x16xf32>,
        %parallel_loop3A_275 = vector.shape_cast %parallel_loop3A_274 : vector<1x16xf32> to vector<16xf32>
        %parallel_loop3A_276 = vector.shape_cast %get3A_185 : vector<16xf32> to vector<1x16xf32>
        tpu.vector_store %arg11[%parallel_loop3A_272, %parallel_loop3A_273], %parallel_loop3A_276 {add = true, strides = array<i32>} : memref<128x256xf32, #tpu.memory_space<vmem>>, vector<1x16xf32>,
        %parallel_loop3A_277 = arith.index_cast %parallel_loop3A_221 : i32 to index
        %parallel_loop3A_278 = arith.constant 176 : index
        %parallel_loop3A_279 = tpu.vector_load %arg11[%parallel_loop3A_277, %parallel_loop3A_278] {strides = array<i32>} : memref<128x256xf32, #tpu.memory_space<vmem>>, vector<1x16xf32>,
        %parallel_loop3A_280 = vector.shape_cast %parallel_loop3A_279 : vector<1x16xf32> to vector<16xf32>
        %parallel_loop3A_281 = vector.shape_cast %get3A_189 : vector<16xf32> to vector<1x16xf32>
        tpu.vector_store %arg11[%parallel_loop3A_277, %parallel_loop3A_278], %parallel_loop3A_281 {add = true, strides = array<i32>} : memref<128x256xf32, #tpu.memory_space<vmem>>, vector<1x16xf32>,
        %parallel_loop3A_282 = arith.index_cast %parallel_loop3A_221 : i32 to index
        %parallel_loop3A_283 = arith.constant 192 : index
        %parallel_loop3A_284 = tpu.vector_load %arg11[%parallel_loop3A_282, %parallel_loop3A_283] {strides = array<i32>} : memref<128x256xf32, #tpu.memory_space<vmem>>, vector<1x16xf32>,
        %parallel_loop3A_285 = vector.shape_cast %parallel_loop3A_284 : vector<1x16xf32> to vector<16xf32>
        %parallel_loop3A_286 = vector.shape_cast %get3A_193 : vector<16xf32> to vector<1x16xf32>
        tpu.vector_store %arg11[%parallel_loop3A_282, %parallel_loop3A_283], %parallel_loop3A_286 {add = true, strides = array<i32>} : memref<128x256xf32, #tpu.memory_space<vmem>>, vector<1x16xf32>,
        %parallel_loop3A_287 = arith.index_cast %parallel_loop3A_221 : i32 to index
        %parallel_loop3A_288 = arith.constant 208 : index
        %parallel_loop3A_289 = tpu.vector_load %arg11[%parallel_loop3A_287, %parallel_loop3A_288] {strides = array<i32>} : memref<128x256xf32, #tpu.memory_space<vmem>>, vector<1x16xf32>,
        %parallel_loop3A_290 = vector.shape_cast %parallel_loop3A_289 : vector<1x16xf32> to vector<16xf32>
        %parallel_loop3A_291 = vector.shape_cast %get3A_197 : vector<16xf32> to vector<1x16xf32>
        tpu.vector_store %arg11[%parallel_loop3A_287, %parallel_loop3A_288], %parallel_loop3A_291 {add = true, strides = array<i32>} : memref<128x256xf32, #tpu.memory_space<vmem>>, vector<1x16xf32>,
        %parallel_loop3A_292 = arith.index_cast %parallel_loop3A_221 : i32 to index
        %parallel_loop3A_293 = arith.constant 224 : index
        %parallel_loop3A_294 = tpu.vector_load %arg11[%parallel_loop3A_292, %parallel_loop3A_293] {strides = array<i32>} : memref<128x256xf32, #tpu.memory_space<vmem>>, vector<1x16xf32>,
        %parallel_loop3A_295 = vector.shape_cast %parallel_loop3A_294 : vector<1x16xf32> to vector<16xf32>
        %parallel_loop3A_296 = vector.shape_cast %get3A_201 : vector<16xf32> to vector<1x16xf32>
        tpu.vector_store %arg11[%parallel_loop3A_292, %parallel_loop3A_293], %parallel_loop3A_296 {add = true, strides = array<i32>} : memref<128x256xf32, #tpu.memory_space<vmem>>, vector<1x16xf32>,
        %parallel_loop3A_297 = arith.index_cast %parallel_loop3A_221 : i32 to index
        %parallel_loop3A_298 = arith.constant 240 : index
        %parallel_loop3A_299 = tpu.vector_load %arg11[%parallel_loop3A_297, %parallel_loop3A_298] {strides = array<i32>} : memref<128x256xf32, #tpu.memory_space<vmem>>, vector<1x16xf32>,
        %parallel_loop3A_300 = vector.shape_cast %parallel_loop3A_299 : vector<1x16xf32> to vector<16xf32>
        %parallel_loop3A_301 = vector.shape_cast %get3A_205 : vector<16xf32> to vector<1x16xf32>
        tpu.vector_store %arg11[%parallel_loop3A_297, %parallel_loop3A_298], %parallel_loop3A_301 {add = true, strides = array<i32>} : memref<128x256xf32, #tpu.memory_space<vmem>>, vector<1x16xf32>,
      } {sc.loop_unroll_factor = 2 : i64, sc.parallel_access}
      %dma_start3A_209 = arith.constant 0 : i32
      %dma_start3A_210 = tpu.memref_slice %arg8[%div3A_139, %rem3A_141, %dma_start3A_209] : memref<8x8x128xi32, #tpu.memory_space<vmem>> -> memref<1x1x128xi32, #tpu.memory_space<vmem>>
      %dma_start3A_211 = tpu.memref_squeeze %dma_start3A_210 : memref<1x1x128xi32, #tpu.memory_space<vmem>> -> memref<128xi32, #tpu.memory_space<vmem>>
      %dma_start3A_212 = arith.constant 0 : i32
      %dma_start3A_213 = arith.constant 0 : i32
      %dma_start3A_214 = tpu.memref_slice %arg6[%dma_start3A_212, %dma_start3A_213] : memref<262144x256xf32, #tpu.memory_space<hbm>> -> memref<262144x256xf32, #tpu.memory_space<hbm>>
      tpu.enqueue_indirect_dma source(%arg11 : memref<128x256xf32, #tpu.memory_space<vmem>>) target(%dma_start3A_214 : memref<262144x256xf32, #tpu.memory_space<hbm>>) offsets(%dma_start3A_211 : memref<128xi32, #tpu.memory_space<vmem>>) semaphore(%arg14 : memref<!tpu.dma_semaphore, #tpu.memory_space<semaphore_mem>>)
      %dma_wait3A_215 = arith.constant 0 : i32
      %dma_wait3A_216 = tpu.memref_slice %arg8[%div3A_139, %rem3A_141, %dma_wait3A_215] : memref<8x8x128xi32, #tpu.memory_space<vmem>> -> memref<1x1x128xi32, #tpu.memory_space<vmem>>
      %dma_wait3A_217 = tpu.memref_squeeze %dma_wait3A_216 : memref<1x1x128xi32, #tpu.memory_space<vmem>> -> memref<128xi32, #tpu.memory_space<vmem>>
      %dma_wait3A_218 = arith.constant 0 : i32
      %dma_wait3A_219 = arith.constant 0 : i32
      %dma_wait3A_220 = tpu.memref_slice %arg6[%dma_wait3A_218, %dma_wait3A_219] : memref<262144x256xf32, #tpu.memory_space<hbm>> -> memref<262144x256xf32, #tpu.memory_space<hbm>>
      tpu.wait_indirect_dma semaphore(%arg14 : memref<!tpu.dma_semaphore, #tpu.memory_space<semaphore_mem>>) src(%arg11 : memref<128x256xf32, #tpu.memory_space<vmem>>) dst(%dma_wait3A_220 : memref<262144x256xf32, #tpu.memory_space<hbm>>)
    }
    %scan3A_16 = arith.constant 32 : i32
    return
  }
}

</mosaic_0001>

<sc_bundles>
// kernel: kernel.3.cloned.1.call-start
scs
__scs_entry_jumppad:
0x0: {  	(pc) =	sbr.rel $0x88, $3  }
0x1: {  	(tag) =	ssettag $0x0;
	lr =	simm.s32 $0x1  }
0x2: {  	[smem:$0x3F9E] =	sst lr;
	_ =	strace $0xD0000000  }
0x3: {  	_ = 	snop  }
0x4: {  	_ = 	snop  }
0x5: {  	_ = 	snop  }
0x6: {  	_ = 	snop  }
0x7: {  	_ = 	snop  }
__scs_overlays_trampoline_lowered:
0x8: {  	[smem:$0x3FAD] =	sst s0  }
0x9: {  	[smem:$0x3FAE] =	sst s1  }
0xa: {  	[smem:$0x3FAF] =	sst s2  }
0xb: {  	[smem:$0x3FB0] =	sst s3  }
0xc: {  	[smem:$0x3FB1] =	sst s4  }
0xd: {  	[smem:$0x3FB2] =	sst s5  }
0xe: {  	[smem:$0x3FB3] =	sst s6  }
0xf: {  	[smem:$0x3FB4] =	sst s7  }
0x10: {  	[smem:$0x3FB5] =	sst s8  }
0x11: {  	[smem:$0x3FB6] =	sst s9;
	s0 =	simm.s32 @!p0 $0x0  }
0x12: {  	s1 =	sld [smem:$0x3F9C];
	s0 =	simm.s32 @p0 $0x1  }
0x13: {  	[smem:$0x3FB7] =	sst s0;
	s0 =	simm.s32 @!p1 $0x0  }
0x14: {  	s2 =	sld [smem:$0x3F9B];
	s0 =	simm.s32 @p1 $0x1  }
0x15: {  	[smem:$0x3FB8] =	sst s0;
	s0 =	simm.s32 @!p2 $0x0  }
0x16: {  	s3 =	sld [smem:$0x3FDB];
	s0 =	simm.s32 @p2 $0x1  }
0x17: {  	s4 =	simm.s32 $0x1BF5;
	[smem:$0x3FBA] =	sst s0  }
0x18: {  	s0 =	sld [smem:$0x3F9D];
	_ =	swait.ge [sflag:s4], $0x0  }
0x19: {  	s7 =	sld [smem:$0x3F9E]  }
0x1a: {  	s8 =	sadd.s32 $0xFFFFE003, lr  }
0x1b: {  	s9 =	sadd.s32 $0xFFFFFEF7, lr;
	s5 =	simm.s32 $0xFFFFFFFF;
	p2 =	slt.u32 s8, $0xFFFFF086  }
0x1c: {  	p1 =	slt.u32 s9, $0xF7A;
	s5 =	simm.s32 @!p2 $0x0  }
0x1d: {  	s5 =	simm.s32 @p1 $0x1;
	p0 =	seq.s32 s7, s2  }
0x1e: {  	s7 =	smul.u32 @!p0 $0xF7A, s2;
	p2 =	seq.s32 @!p0 s5, $0x0  }
0x1f: {  	s9 =	smul.u32 $0xF7A, s1;
	s8 =	simm.s32 @!p0 $0x1BF5;
	p2 =	por !p2, p0  }
0x20: {  	[sflag:s8] =	ssyncset.s32 @!p0 $0xFFFFF086;
	s6 =	sadd.s32 @!p0 s3, s7;
	s7 =	simm.s32 @!p0 $0x108  }
0x21: {  	s3 =	sadd.s32 s3, s9;
	s6 =	sadd.s32 @!p0 $0x88, s6;
	s7 =	simm.s32 @p2 $0x1082  }
0x22: {  	[simem:s7], [sflag:s8] =	dma.local @!p0 [hbm:s6], $0xF7A  }
0x23: {  	s9 =	sor.u32 $0xD0000000, s2;
	s6 =	simm.s32 $0x108;
	_ =	swait.ge @!p0 [sflag:s8], $0x0  }
0x24: {  	s3 =	sadd.s32 $0x88, s3;
	s6 =	simm.s32 @!p1 $0x1082;
	[sflag:s4] =	ssyncset.s32 $0xFFFFF086  }
0x25: {  	[simem:s6], [sflag:s4] =	dma.local [hbm:s3], $0xF7A  }
0x26: {  	[smem:$0x3F9E] =	sst s1;
	(tag) =	ssettag s2;
	_ =	strace s9  }
0x27: {  	s1 =	sld [smem:$0x3FAE]  }
0x28: {  	s2 =	sld [smem:$0x3FAF]  }
0x29: {  	s4 =	sld [smem:$0x3FB1]  }
0x2a: {  	p0 =	seq.s32 s5, $0x0;
	s5 =	sld [smem:$0x3FB2]  }
0x2b: {  	s6 =	sld [smem:$0x3FB3]  }
0x2c: {  	s7 =	sld [smem:$0x3FB4]  }
0x2d: {  	s3 =	simm.s32 $0x108;
	s8 =	sld [smem:$0x3FB5]  }
0x2e: {  	s3 =	simm.s32 @!p0 $0x1082;
	s9 =	sld [smem:$0x3FB6]  }
0x2f: {  	lr =	sadd.s32 s0, s3;
	s0 =	sld [smem:$0x3FAD]  }
0x30: {  	s3 =	sld [smem:$0x3FB0]  }
0x31: {  	[smem:$0x3FB9] =	sst s10  }
0x32: {  	s10 =	sld [smem:$0x3FB7];
	_ =	sdelay $0x3  }
0x33: {  	p0 =	seq.s32 s10, $0x1;
	s10 =	sld [smem:$0x3FB9];
	_ =	sdelay $0x3  }
0x34: {  	[smem:$0x3FB9] =	sst s10  }
0x35: {  	s10 =	sld [smem:$0x3FB8];
	_ =	sdelay $0x3  }
0x36: {  	p1 =	seq.s32 s10, $0x1;
	s10 =	sld [smem:$0x3FB9];
	_ =	sdelay $0x3  }
0x37: {  	[smem:$0x3FB9] =	sst s10  }
0x38: {  	s10 =	sld [smem:$0x3FBA]  }
0x39: {  	_ = 	snop;
	(pc) =	sbr.ind lr, $3  }
0x3a: {  	_ = 	snop  }
0x3b: {  	_ = 	snop  }
0x3c: {  	p2 =	seq.s32 s10, $0x1;
	s10 =	sld [smem:$0x3FB9]  }
0x3d: {  	_ =	shalt  }
0x3e: {  	_ =	shalt  }
0x3f: {  	_ =	shalt  }
0x40: {  	_ =	shalt  }
0x41: {  	_ =	shalt  }
0x42: {  	_ =	shalt  }
0x43: {  	_ =	shalt  }
0x44: {  	_ =	shalt  }
0x45: {  	_ =	shalt  }
0x46: {  	_ =	shalt  }
0x47: {  	_ =	shalt  }
0x48: {  	_ =	shalt  }
0x49: {  	_ =	shalt  }
0x4a: {  	_ =	shalt  }
0x4b: {  	_ =	shalt  }
0x4c: {  	_ =	shalt  }
0x4d: {  	_ =	shalt  }
0x4e: {  	_ =	shalt  }
0x4f: {  	_ =	shalt  }
0x50: {  	_ =	shalt  }
0x51: {  	_ =	shalt  }
0x52: {  	_ =	shalt  }
0x53: {  	_ =	shalt  }
0x54: {  	_ =	shalt  }
0x55: {  	_ =	shalt  }
0x56: {  	_ =	shalt  }
0x57: {  	_ =	shalt  }
0x58: {  	_ =	shalt  }
0x59: {  	_ =	shalt  }
0x5a: {  	_ =	shalt  }
0x5b: {  	_ =	shalt  }
0x5c: {  	_ =	shalt  }
0x5d: {  	_ =	shalt  }
0x5e: {  	_ =	shalt  }
0x5f: {  	_ =	shalt  }
0x60: {  	_ =	shalt  }
0x61: {  	_ =	shalt  }
0x62: {  	_ =	shalt  }
0x63: {  	_ =	shalt  }
0x64: {  	_ =	shalt  }
0x65: {  	_ =	shalt  }
0x66: {  	_ =	shalt  }
0x67: {  	_ =	shalt  }
0x68: {  	_ =	shalt  }
0x69: {  	_ =	shalt  }
0x6a: {  	_ =	shalt  }
0x6b: {  	_ =	shalt  }
0x6c: {  	_ =	shalt  }
0x6d: {  	_ =	shalt  }
0x6e: {  	_ =	shalt  }
0x6f: {  	_ =	shalt  }
0x70: {  	_ =	shalt  }
0x71: {  	_ =	shalt  }
0x72: {  	_ =	shalt  }
0x73: {  	_ =	shalt  }
0x74: {  	_ =	shalt  }
0x75: {  	_ =	shalt  }
0x76: {  	_ =	shalt  }
0x77: {  	_ =	shalt  }
0x78: {  	_ =	shalt  }
0x79: {  	_ =	shalt  }
0x7a: {  	_ =	shalt  }
0x7b: {  	_ =	shalt  }
0x7c: {  	_ =	shalt  }
0x7d: {  	_ =	shalt  }
0x7e: {  	_ =	shalt  }
0x7f: {  	_ =	shalt  }
0x80: {  	_ =	shalt  }
0x81: {  	_ =	shalt  }
0x82: {  	_ =	shalt  }
0x83: {  	_ =	shalt  }
0x84: {  	_ =	shalt  }
0x85: {  	_ =	shalt  }
0x86: {  	_ =	shalt  }
0x87: {  	_ =	shalt  }
.Lfunc_end0:
.L_simem_size_0:
called_computation_lowered:
.L_overlay_start_0:
0x88: {  	s2 =	sld [smem:$0x3FD9]  }
0x89: {  	s3 =	sld [smem:$0x3FFE];
	_ =	sdelay $0x1  }
0x8a: {  	s1 =	srdreg.scid  }
0x8b: {  	s0 =	sand.u32 $0x1, s1  }
0x8c: {  	s17 =	sshll.u32 s0, $0xA;
	s2 =	sadd.s32 s3, s2  }
0x8d: {  	s2 =	sadd.s32 s2, s17  }
0x8e: {  	[smem:$0x3FC5] =	sst s2  }
0x8f: {  	_ = 	snop  }
0x90: {  	s2 =	sld [smem:$0x3FC8]  }
0x91: {  	s18 =	sld [smem:$0x3FC7]  }
0x92: {  	s4 =	sld [smem:$0x3FD0];
	(tm) =	ssettm $0x1  }
0x93: {  	s5 =	sld [smem:$0x3FFB];
	_ =	sdelay $0x3  }
0x94: {  	_ =	strace s5  }
0x95: {  	s5 =	sld [smem:$0x3FFC];
	_ =	sdelay $0x3  }
0x96: {  	_ =	strace s5  }
0x97: {  	s5 =	sld [smem:$0x3FFD];
	_ =	sdelay $0x3  }
0x98: {  	_ =	strace s5  }
0x99: {  	_ =	strace $0x8FFFFFFF  }
0x9a: {  	s19 =	sld [smem:$0x3FDB];
	_ =	sdelay $0x1  }
0x9b: {  	s6 =	simm.s32 $_scs_section_size  }
0x9c: {  	s7 =	simm.s32 $_size__tile_overlayer_lowered;
	s8 =	simm.s32 $_tile_overlayer_lowered  }
0x9d: {  	s22 =	simm.s32 $0x1BFF;
	s21 =	sshll.u32 s8, $0x1;
	s5 =	sadd.s32 s6, s19  }
0x9e: {  	s9 =	simm.s32 $0x0;
	s20 =	sshll.u32 s7, $0x1;
	s7 =	sadd.s32 s21, s5  }
0x9f: {  	[timem:s9], [sflag:s22] =	dma.local [hbm:s7], s20  }
0xa0: {  	_ =	swait.ge [sflag:s22], s20  }
0xa1: {  	s6 =	ssub.s32 $0x0, s20;
	[sflag:s22] =	ssyncset.done $0x0  }
0xa2: {  	[sflag:s22] =	ssyncadd.s32 s6;
	_ =	sdelay $0x1  }
0xa3: {  	s23 =	simm.s32 $0x1B8B  }
0xa4: {  	_ =	swait.ge [sflag:s23], $0x1  }
0xa5: {  	[sflag:s23] =	ssyncset.done $0x0  }
0xa6: {  	s25 =	simm.s32 $0x1B8E;
	s24 =	sld [smem:$0x3FFE];
	[sflag:s23] =	ssyncadd.s32 $0xFFFFFFFF  }
0xa7: {  	s26 =	simm.s32 $execute0_lowered;
	[smem:$0x3FD2] =	sst s25  }
0xa8: {  	s7 =	sshll.u32 s26, $0x1;
	_ =	strace $0x80000046;
	[dreg:$0x1] =	wrdreg $0xFFFFFFFF  }
0xa9: {  	s28 =	simm.s32 $_size_execute0_lowered;
	s5 =	sadd.s32 s5, s7;
	[dreg:$0x0] =	wrdreg $0x0  }
0xaa: {  	s7 =	sshll.u32 s28, $0x1;
	[dreg:$0x2] =	wrdreg s5  }
0xab: {  	[dreg:$0x3] =	wrdreg s7  }
0xac: {  	[dreg:$0x4] =	wrdreg $0xC0  }
0xad: {  	_ =	task [dreg:s9], $0x5FFFF  }
0xae: {  	[dreg:$0x1] =	wrdreg $0xFFFFFFFF  }
0xaf: {  	[dreg:$0x0] =	wrdreg $0x60  }
0xb0: {  	[dreg:$0x2] =	wrdreg s24  }
0xb1: {  	[dreg:$0x3] =	wrdreg s2  }
0xb2: {  	[dreg:$0x4] =	wrdreg s18  }
0xb3: {  	[dreg:$0x5] =	wrdreg s4  }
0xb4: {  	[dreg:$0x6] =	wrdreg $0x9  }
0xb5: {  	_ =	task.clear_ibuf [dreg:s9], $0x7FFFF;
	_ =	strace $0x90000046  }
0xb6: {  	s29 =	simm.s32 $0x9;
	_ =	strace $0x80000048  }
0xb7: {  	_ =	swait.ge [sflag:s29], $0x1  }
0xb8: {  	[sflag:s29] =	ssyncadd.s32 $0xFFFFFFFF  }
0xb9: {  	_ =	strace $0x90000048  }
0xba: {  	_ =	sfence  }
0xbb: {  	s30 =	sld [smem:$0x0];
	_ =	sdelay $0x2  }
0xbc: {  	s31 =	sshll.u32 s1, $0xD;
	s1 =	sshrl.u32 s1, $0x2  }
0xbd: {  	s3 =	sand.u32 $0x4000, s31;
	s1 =	sadd.s32 s1, s30  }
0xbe: {  	s0 =	sor.u32 s3, s0;
	s1 =	sshll.u32 s1, $0x11  }
0xbf: {  	s0 =	sor.u32 s1, s0  }
0xc0: {  	s0 =	sadd.s32 $0x8F2B, s0  }
0xc1: {  	[sflag:s0] =	ssyncadd.remote.s32 $0x1  }
0xc2: {  	_ =	sfence.sel $0xFFFF  }
0xc3: {  	[dreg:$0x0] =	wrdreg $0xFFFFFFFF;
	(pc) =	sbr.abs _section_cstart, $3  }
0xc4: {  	[dreg:$0x1] =	wrdreg $0xFFFFFFFF  }
0xc5: {  	_ =	task.clear_ibuf [dreg:s9], $0x2FFFF;
	_ =	strace $0x9FFFFFFF  }
0xc6: {  	(tm) =	ssettm $0x7FFFFFFF  }
0xc7: {  	_ =	shalt  }
tec
execute0_lowered:
.L_overlay_start_1:
0x0: {  	(tag) =	ssettag $0x1  }
0x1: {  	s0 =	rddreg [dreg:$0x0]  }
0x2: {  	s1 =	rddreg [dreg:$0x1]  }
0x3: {  	s2 =	rddreg [dreg:$0x2];
	s4 =	srdreg.scid  }
0x4: {  	s6 =	stileid.u32;
	s3 =	rddreg [dreg:$0x3];
	s25 =	simm.s32 $0xC800  }
0x5: {  	s31 =	simm.s32 $0xD800;
	s10 =	simm.s32 $0xF000;
	s11 =	simm.s32 $0xF800  }
0x6: {  	s8 =	simm.s32 $0x11800;
	s9 =	simm.s32 $0x12000;
	s12 =	simm.s32 $0x12800  }
0x7: {  	s13 =	simm.s32 $0x13000;
	s14 =	simm.s32 $0x13800;
	s15 =	simm.s32 $0x14000  }
0x8: {  	s16 =	simm.s32 $0x1;
	s17 =	simm.s32 $0x3;
	s18 =	simm.s32 $0x2  }
0x9: {  	s5 =	sand.u32 $0x1, s4;
	s6 =	sshll.u32 s6, $0x1;
	s4 =	simm.s32 $0x0  }
0xa: {  	s20 =	simm.s32 $0x0;
	s6 =	sor.u32 s5, s6;
	[smem:$0x7FF] =	sst s4  }
0xb: {  	s5 =	ssub.s32 $0x2, s5;
	s7 =	sshll.u32 s6, $0xA;
	_ =	strace $0x80000047  }
0xc: {  	s26 =	sshrl.u32 s5, $0x1;
	s6 =	sshll.u32 s6, $0x8;
	s0 =	sadd.s32 s7, s0  }
0xd: {  	s5 =	ssub.s32 s5, s26;
	s29 =	sadd.s32 s2, s6;
	s26 =	simm.s32 $0xD000  }
0xe: {  	s2 =	simm.s32 $0xE000;
	s28 =	sadd.s32 $0x600, s0;
	[dreg:$0x7] =	wrdreg s29  }
0xf: {  	v2 =	vlaneseq.u32;
	s6 =	simm.s32 $0x10800;
	s0 =	sadd.s32 $0x8600, s0;
	[dreg:$0x5] =	wrdreg s28  }
0x10: {  	vm0 =	vmmov $0xffff;
	v1 =	vshrl.u32 v2, $0x3;
	s7 =	simm.s32 $0x11000;
	s30 =	smax.u32 s5, $0x1;
	[dreg:$0x6] =	wrdreg s0  }
0x11: {  	v0 =	vand.u32 $0x7, v2;
	v2 =	vor.u32 $0x8, v2;
	v1 =	vmul.u32 $0x8, v1;
	s5 =	simm.s32 $0x10000;
	[dreg:$0x8] =	wrdreg s30;
	s0 =	simm.s32 $0xE800  }
.LBB2_1:
0x12: {  	[dreg:$0x9] =	wrdreg s20  }
0x13: {  	s19 =	rddreg [dreg:$0x5];
	s24 =	simm.s32 $0x4  }
0x14: {  	[tilespmem:s4], [sflag:$0x4] =	stream.linear.gather [hbm4b:s19+s4], $0x2000, $0x38;
	[tilespmem:$0x14800] =	vst v63  }
0x15: {  	_ =	swait.ge [sflag:s24], $0x2000  }
0x16: {  	[sflag:s24] =	ssyncset.done $0x0  }
0x17: {  	s21 =	simm.s32 $0x2000;
	s28 =	rddreg [dreg:$0x6];
	[sflag:s24] =	ssyncadd.s32 $0xFFFFE000  }
0x18: {  	[tilespmem:s21], [sflag:$0x4] =	stream.linear.gather [hbm4b:s28+s4], $0x2000, $0x38;
	[tilespmem:$0x14800] =	vst v63  }
0x19: {  	_ =	swait.ge [sflag:s24], $0x2000  }
0x1a: {  	[sflag:s24] =	ssyncset.done $0x0  }
0x1b: {  	s30 =	simm.s32 $0x4000;
	s29 =	rddreg [dreg:$0x7];
	[sflag:s24] =	ssyncadd.s32 $0xFFFFE000  }
0x1c: {  	[tilespmem:s30], [sflag:$0x4] =	stream.linear.gather [hbm4b:s29+s4], $0x800, $0x38;
	[tilespmem:$0x14800] =	vst v63  }
0x1d: {  	_ =	swait.ge [sflag:s24], $0x800  }
0x1e: {  	[sflag:s24] =	ssyncset.done $0x0  }
0x1f: {  	[sflag:s24] =	ssyncadd.s32 $0xFFFFF800  }
0x20: {  	v3 =	vld [tilespmem:$0x0];
	_ =	sdelay $0x4  }
0x21: {  	v4 =	vshll.u32 v3, $0x1  }
0x22: {  	v3 =	vand.u32 $0x7, v3;
	v4 =	vand.u32 $0xFFFFFFF0, v4  }
0x23: {  	v3 =	vor.u32 v3, v4  }
0x24: {  	v4 =	vperm.xlane v3, v0;
	_ =	sdelay $0x1  }
0x25: {  	v3 =	vperm.xlane v3, v2;
	v4 =	vadd.s32 v1, v4;
	_ =	sdelay $0x1  }
0x26: {  	v3 =	vadd.s32 v1, v3;
	_ =	sdelay $0x1  }
0x27: {  	s20 =	simm.s32 $0x4800  }
0x28: {  	[tilespmem:s20], [sflag:$0x1] =	stream.indirect_vreg.gather [hbm4b:s1+s4], $0x80, v4, vm0, $0xb8;
	[tilespmem:$0x14800] =	vst v63  }
0x29: {  	s21 =	simm.s32 $0x5000  }
0x2a: {  	[tilespmem:s21], [sflag:$0x1] =	stream.indirect_vreg.gather [hbm4b:s1+s4], $0x80, v3, vm0, $0xb8;
	[tilespmem:$0x14800] =	vst v63  }
0x2b: {  	v3 =	vld [tilespmem:$0x10];
	_ =	sdelay $0x4  }
0x2c: {  	v57 =	vshll.u32 v3, $0x1  }
0x2d: {  	v3 =	vand.u32 $0x7, v3;
	v4 =	vand.u32 $0xFFFFFFF0, v57  }
0x2e: {  	v3 =	vor.u32 v3, v4  }
0x2f: {  	v4 =	vperm.xlane v3, v0;
	_ =	sdelay $0x1  }
0x30: {  	v3 =	vperm.xlane v3, v2;
	v4 =	vadd.s32 v1, v4;
	_ =	sdelay $0x1  }
0x31: {  	v3 =	vadd.s32 v1, v3;
	_ =	sdelay $0x1  }
0x32: {  	s22 =	simm.s32 $0x5800  }
0x33: {  	[tilespmem:s22], [sflag:$0x1] =	stream.indirect_vreg.gather [hbm4b:s1+s4], $0x80, v4, vm0, $0xb8;
	[tilespmem:$0x14800] =	vst v63  }
0x34: {  	s23 =	simm.s32 $0x6000  }
0x35: {  	[tilespmem:s23], [sflag:$0x1] =	stream.indirect_vreg.gather [hbm4b:s1+s4], $0x80, v3, vm0, $0xb8;
	[tilespmem:$0x14800] =	vst v63  }
0x36: {  	v3 =	vld [tilespmem:$0x20];
	_ =	sdelay $0x4  }
0x37: {  	v58 =	vshll.u32 v3, $0x1  }
0x38: {  	v3 =	vand.u32 $0x7, v3;
	v4 =	vand.u32 $0xFFFFFFF0, v58  }
0x39: {  	v3 =	vor.u32 v3, v4  }
0x3a: {  	v4 =	vperm.xlane v3, v0;
	_ =	sdelay $0x1  }
0x3b: {  	v3 =	vperm.xlane v3, v2;
	v4 =	vadd.s32 v1, v4;
	_ =	sdelay $0x1  }
0x3c: {  	v3 =	vadd.s32 v1, v3;
	_ =	sdelay $0x1  }
0x3d: {  	s24 =	simm.s32 $0x6800  }
0x3e: {  	[tilespmem:s24], [sflag:$0x1] =	stream.indirect_vreg.gather [hbm4b:s1+s4], $0x80, v4, vm0, $0xb8;
	[tilespmem:$0x14800] =	vst v63  }
0x3f: {  	s28 =	simm.s32 $0x7000  }
0x40: {  	[tilespmem:s28], [sflag:$0x1] =	stream.indirect_vreg.gather [hbm4b:s1+s4], $0x80, v3, vm0, $0xb8;
	[tilespmem:$0x14800] =	vst v63  }
0x41: {  	v3 =	vld [tilespmem:$0x30];
	_ =	sdelay $0x4  }
0x42: {  	v59 =	vshll.u32 v3, $0x1  }
0x43: {  	v3 =	vand.u32 $0x7, v3;
	v4 =	vand.u32 $0xFFFFFFF0, v59  }
0x44: {  	v3 =	vor.u32 v3, v4  }
0x45: {  	v4 =	vperm.xlane v3, v0;
	_ =	sdelay $0x1  }
0x46: {  	v3 =	vperm.xlane v3, v2;
	v4 =	vadd.s32 v1, v4;
	_ =	sdelay $0x1  }
0x47: {  	v3 =	vadd.s32 v1, v3;
	_ =	sdelay $0x1  }
0x48: {  	s29 =	simm.s32 $0x7800  }
0x49: {  	[tilespmem:s29], [sflag:$0x1] =	stream.indirect_vreg.gather [hbm4b:s1+s4], $0x80, v4, vm0, $0xb8;
	[tilespmem:$0x14800] =	vst v63  }
0x4a: {  	s30 =	simm.s32 $0x8000  }
0x4b: {  	[tilespmem:s30], [sflag:$0x1] =	stream.indirect_vreg.gather [hbm4b:s1+s4], $0x80, v3, vm0, $0xb8;
	[tilespmem:$0x14800] =	vst v63  }
0x4c: {  	v3 =	vld [tilespmem:$0x40];
	_ =	sdelay $0x4  }
0x4d: {  	v60 =	vshll.u32 v3, $0x1  }
0x4e: {  	v3 =	vand.u32 $0x7, v3;
	v4 =	vand.u32 $0xFFFFFFF0, v60  }
0x4f: {  	v3 =	vor.u32 v3, v4  }
0x50: {  	v4 =	vperm.xlane v3, v0;
	_ =	sdelay $0x1  }
0x51: {  	v3 =	vperm.xlane v3, v2;
	v4 =	vadd.s32 v1, v4;
	_ =	sdelay $0x1  }
0x52: {  	v3 =	vadd.s32 v1, v3;
	_ =	sdelay $0x1  }
0x53: {  	s20 =	simm.s32 $0x8800  }
0x54: {  	[tilespmem:s20], [sflag:$0x1] =	stream.indirect_vreg.gather [hbm4b:s1+s4], $0x80, v4, vm0, $0xb8;
	[tilespmem:$0x14800] =	vst v63  }
0x55: {  	s21 =	simm.s32 $0x9000  }
0x56: {  	[tilespmem:s21], [sflag:$0x1] =	stream.indirect_vreg.gather [hbm4b:s1+s4], $0x80, v3, vm0, $0xb8;
	[tilespmem:$0x14800] =	vst v63  }
0x57: {  	v3 =	vld [tilespmem:$0x50];
	_ =	sdelay $0x4  }
0x58: {  	v61 =	vshll.u32 v3, $0x1  }
0x59: {  	v3 =	vand.u32 $0x7, v3;
	v4 =	vand.u32 $0xFFFFFFF0, v61  }
0x5a: {  	v3 =	vor.u32 v3, v4  }
0x5b: {  	v4 =	vperm.xlane v3, v0;
	_ =	sdelay $0x1  }
0x5c: {  	v3 =	vperm.xlane v3, v2;
	v4 =	vadd.s32 v1, v4;
	_ =	sdelay $0x1  }
0x5d: {  	v3 =	vadd.s32 v1, v3;
	_ =	sdelay $0x1  }
0x5e: {  	s22 =	simm.s32 $0x9800  }
0x5f: {  	[tilespmem:s22], [sflag:$0x1] =	stream.indirect_vreg.gather [hbm4b:s1+s4], $0x80, v4, vm0, $0xb8;
	[tilespmem:$0x14800] =	vst v63  }
0x60: {  	s23 =	simm.s32 $0xA000  }
0x61: {  	[tilespmem:s23], [sflag:$0x1] =	stream.indirect_vreg.gather [hbm4b:s1+s4], $0x80, v3, vm0, $0xb8;
	[tilespmem:$0x14800] =	vst v63  }
0x62: {  	v3 =	vld [tilespmem:$0x60];
	_ =	sdelay $0x4  }
0x63: {  	v62 =	vshll.u32 v3, $0x1  }
0x64: {  	v3 =	vand.u32 $0x7, v3;
	v4 =	vand.u32 $0xFFFFFFF0, v62  }
0x65: {  	v3 =	vor.u32 v3, v4  }
0x66: {  	v4 =	vperm.xlane v3, v0;
	_ =	sdelay $0x1  }
0x67: {  	v3 =	vperm.xlane v3, v2;
	v4 =	vadd.s32 v1, v4;
	_ =	sdelay $0x1  }
0x68: {  	v3 =	vadd.s32 v1, v3;
	_ =	sdelay $0x1  }
0x69: {  	s24 =	simm.s32 $0xA800  }
0x6a: {  	[tilespmem:s24], [sflag:$0x1] =	stream.indirect_vreg.gather [hbm4b:s1+s4], $0x80, v4, vm0, $0xb8;
	[tilespmem:$0x14800] =	vst v63  }
0x6b: {  	s28 =	simm.s32 $0xB000  }
0x6c: {  	[tilespmem:s28], [sflag:$0x1] =	stream.indirect_vreg.gather [hbm4b:s1+s4], $0x80, v3, vm0, $0xb8;
	[tilespmem:$0x14800] =	vst v63  }
0x6d: {  	v3 =	vld [tilespmem:$0x70];
	_ =	sdelay $0x4  }
0x6e: {  	v63 =	vshll.u32 v3, $0x1  }
0x6f: {  	v3 =	vand.u32 $0x7, v3;
	v4 =	vand.u32 $0xFFFFFFF0, v63  }
0x70: {  	v3 =	vor.u32 v3, v4  }
0x71: {  	v4 =	vperm.xlane v3, v0;
	_ =	sdelay $0x1  }
0x72: {  	v3 =	vperm.xlane v3, v2;
	v4 =	vadd.s32 v1, v4;
	_ =	sdelay $0x1  }
0x73: {  	v3 =	vadd.s32 v1, v3;
	_ =	sdelay $0x1  }
0x74: {  	s29 =	simm.s32 $0xB800  }
0x75: {  	[tilespmem:s29], [sflag:$0x1] =	stream.indirect_vreg.gather [hbm4b:s1+s4], $0x80, v4, vm0, $0xb8;
	[tilespmem:$0x14800] =	vst v63  }
0x76: {  	s19 =	simm.s32 $0x0;
	s30 =	simm.s32 $0xC000  }
0x77: {  	[tilespmem:s30], [sflag:$0x1] =	stream.indirect_vreg.gather [hbm4b:s1+s4], $0x80, v3, vm0, $0xb8;
	[tilespmem:$0x14800] =	vst v63  }
.LBB2_2:
0x78: {  	s20 =	sshrl.u32 s19, $0x2;
	s21 =	sshll.u32 s19, $0x8  }
0x79: {  	s23 =	sshll.u32 s20, $0xA;
	s22 =	sand.u32 $0x300, s21  }
0x7a: {  	s20 =	sor.u32 s23, s22  }
0x7b: {  	v3 =	vld [tilespmem:s20+$0x80];
	_ =	sdelay $0x4  }
0x7c: {  	v4 =	vshll.u32 v3, $0x1  }
0x7d: {  	v3 =	vand.u32 $0x7, v3;
	v4 =	vand.u32 $0xFFFFFFF0, v4  }
0x7e: {  	v3 =	vor.u32 v3, v4  }
0x7f: {  	v4 =	vperm.xlane v3, v0;
	_ =	sdelay $0x1  }
0x80: {  	v3 =	vperm.xlane v3, v2;
	v4 =	vadd.s32 v1, v4;
	_ =	sdelay $0x1  }
0x81: {  	v3 =	vadd.s32 v1, v3;
	_ =	sdelay $0x1  }
0x82: {  	s24 =	simm.s32 $0x0  }
0x83: {  	[tilespmem:s25], [sflag:$0x2] =	stream.indirect_vreg.gather [hbm4b:s1+s24], $0x80, v4, vm0, $0xb8;
	[tilespmem:$0x14800] =	vst v63  }
0x84: {  	_ = 	snop  }
0x85: {  	[tilespmem:s26], [sflag:$0x2] =	stream.indirect_vreg.gather [hbm4b:s1+s24], $0x80, v3, vm0, $0xb8;
	[tilespmem:$0x14800] =	vst v63  }
0x86: {  	v3 =	vld [tilespmem:s20+$0x90];
	_ =	sdelay $0x4  }
0x87: {  	v4 =	vshll.u32 v3, $0x1  }
0x88: {  	v3 =	vand.u32 $0x7, v3;
	v4 =	vand.u32 $0xFFFFFFF0, v4  }
0x89: {  	v3 =	vor.u32 v3, v4  }
0x8a: {  	v4 =	vperm.xlane v3, v0;
	_ =	sdelay $0x1  }
0x8b: {  	v3 =	vperm.xlane v3, v2;
	v4 =	vadd.s32 v1, v4;
	_ =	sdelay $0x1  }
0x8c: {  	v3 =	vadd.s32 v1, v3;
	_ =	sdelay $0x2  }
0x8d: {  	[tilespmem:s31], [sflag:$0x2] =	stream.indirect_vreg.gather [hbm4b:s1+s24], $0x80, v4, vm0, $0xb8;
	[tilespmem:$0x14800] =	vst v63  }
0x8e: {  	_ = 	snop  }
0x8f: {  	[tilespmem:s2], [sflag:$0x2] =	stream.indirect_vreg.gather [hbm4b:s1+s24], $0x80, v3, vm0, $0xb8;
	[tilespmem:$0x14800] =	vst v63  }
0x90: {  	v3 =	vld [tilespmem:s20+$0xA0];
	_ =	sdelay $0x4  }
0x91: {  	v4 =	vshll.u32 v3, $0x1  }
0x92: {  	v3 =	vand.u32 $0x7, v3;
	v4 =	vand.u32 $0xFFFFFFF0, v4  }
0x93: {  	v3 =	vor.u32 v3, v4  }
0x94: {  	v4 =	vperm.xlane v3, v0;
	_ =	sdelay $0x1  }
0x95: {  	v3 =	vperm.xlane v3, v2;
	v4 =	vadd.s32 v1, v4;
	_ =	sdelay $0x1  }
0x96: {  	v3 =	vadd.s32 v1, v3;
	_ =	sdelay $0x2  }
0x97: {  	[tilespmem:s0], [sflag:$0x2] =	stream.indirect_vreg.gather [hbm4b:s1+s24], $0x80, v4, vm0, $0xb8;
	[tilespmem:$0x14800] =	vst v63  }
0x98: {  	_ = 	snop  }
0x99: {  	[tilespmem:s10], [sflag:$0x2] =	stream.indirect_vreg.gather [hbm4b:s1+s24], $0x80, v3, vm0, $0xb8;
	[tilespmem:$0x14800] =	vst v63  }
0x9a: {  	v3 =	vld [tilespmem:s20+$0xB0];
	_ =	sdelay $0x4  }
0x9b: {  	v4 =	vshll.u32 v3, $0x1  }
0x9c: {  	v3 =	vand.u32 $0x7, v3;
	v4 =	vand.u32 $0xFFFFFFF0, v4  }
0x9d: {  	v3 =	vor.u32 v3, v4  }
0x9e: {  	v4 =	vperm.xlane v3, v0;
	_ =	sdelay $0x1  }
0x9f: {  	v3 =	vperm.xlane v3, v2;
	v4 =	vadd.s32 v1, v4;
	_ =	sdelay $0x1  }
0xa0: {  	v3 =	vadd.s32 v1, v3;
	_ =	sdelay $0x2  }
0xa1: {  	[tilespmem:s11], [sflag:$0x2] =	stream.indirect_vreg.gather [hbm4b:s1+s24], $0x80, v4, vm0, $0xb8;
	[tilespmem:$0x14800] =	vst v63  }
0xa2: {  	_ = 	snop  }
0xa3: {  	[tilespmem:s5], [sflag:$0x2] =	stream.indirect_vreg.gather [hbm4b:s1+s24], $0x80, v3, vm0, $0xb8;
	[tilespmem:$0x14800] =	vst v63  }
0xa4: {  	v3 =	vld [tilespmem:s20+$0xC0];
	_ =	sdelay $0x4  }
0xa5: {  	v4 =	vshll.u32 v3, $0x1  }
0xa6: {  	v3 =	vand.u32 $0x7, v3;
	v4 =	vand.u32 $0xFFFFFFF0, v4  }
0xa7: {  	v3 =	vor.u32 v3, v4  }
0xa8: {  	v4 =	vperm.xlane v3, v0;
	_ =	sdelay $0x1  }
0xa9: {  	v3 =	vperm.xlane v3, v2;
	v4 =	vadd.s32 v1, v4;
	_ =	sdelay $0x1  }
0xaa: {  	v3 =	vadd.s32 v1, v3;
	_ =	sdelay $0x2  }
0xab: {  	[tilespmem:s6], [sflag:$0x2] =	stream.indirect_vreg.gather [hbm4b:s1+s24], $0x80, v4, vm0, $0xb8;
	[tilespmem:$0x14800] =	vst v63  }
0xac: {  	_ = 	snop  }
0xad: {  	[tilespmem:s7], [sflag:$0x2] =	stream.indirect_vreg.gather [hbm4b:s1+s24], $0x80, v3, vm0, $0xb8;
	[tilespmem:$0x14800] =	vst v63  }
0xae: {  	v3 =	vld [tilespmem:s20+$0xD0];
	_ =	sdelay $0x4  }
0xaf: {  	v4 =	vshll.u32 v3, $0x1  }
0xb0: {  	v3 =	vand.u32 $0x7, v3;
	v4 =	vand.u32 $0xFFFFFFF0, v4  }
0xb1: {  	v3 =	vor.u32 v3, v4  }
0xb2: {  	v4 =	vperm.xlane v3, v0;
	_ =	sdelay $0x1  }
0xb3: {  	v3 =	vperm.xlane v3, v2;
	v4 =	vadd.s32 v1, v4;
	_ =	sdelay $0x1  }
0xb4: {  	v3 =	vadd.s32 v1, v3;
	_ =	sdelay $0x2  }
0xb5: {  	[tilespmem:s8], [sflag:$0x2] =	stream.indirect_vreg.gather [hbm4b:s1+s24], $0x80, v4, vm0, $0xb8;
	[tilespmem:$0x14800] =	vst v63  }
0xb6: {  	_ = 	snop  }
0xb7: {  	[tilespmem:s9], [sflag:$0x2] =	stream.indirect_vreg.gather [hbm4b:s1+s24], $0x80, v3, vm0, $0xb8;
	[tilespmem:$0x14800] =	vst v63  }
0xb8: {  	v3 =	vld [tilespmem:s20+$0xE0];
	_ =	sdelay $0x4  }
0xb9: {  	v4 =	vshll.u32 v3, $0x1  }
0xba: {  	v3 =	vand.u32 $0x7, v3;
	v4 =	vand.u32 $0xFFFFFFF0, v4  }
0xbb: {  	v3 =	vor.u32 v3, v4  }
0xbc: {  	v4 =	vperm.xlane v3, v0;
	_ =	sdelay $0x1  }
0xbd: {  	v3 =	vperm.xlane v3, v2;
	v4 =	vadd.s32 v1, v4;
	_ =	sdelay $0x1  }
0xbe: {  	v3 =	vadd.s32 v1, v3;
	_ =	sdelay $0x2  }
0xbf: {  	[tilespmem:s12], [sflag:$0x2] =	stream.indirect_vreg.gather [hbm4b:s1+s24], $0x80, v4, vm0, $0xb8;
	[tilespmem:$0x14800] =	vst v63  }
0xc0: {  	_ = 	snop  }
0xc1: {  	[tilespmem:s13], [sflag:$0x2] =	stream.indirect_vreg.gather [hbm4b:s1+s24], $0x80, v3, vm0, $0xb8;
	[tilespmem:$0x14800] =	vst v63  }
0xc2: {  	v3 =	vld [tilespmem:s20+$0xF0];
	_ =	sdelay $0x4  }
0xc3: {  	v4 =	vshll.u32 v3, $0x1  }
0xc4: {  	v3 =	vand.u32 $0x7, v3;
	v4 =	vand.u32 $0xFFFFFFF0, v4  }
0xc5: {  	v3 =	vor.u32 v3, v4  }
0xc6: {  	v4 =	vperm.xlane v3, v0;
	_ =	sdelay $0x1  }
0xc7: {  	v3 =	vperm.xlane v3, v2;
	v4 =	vadd.s32 v1, v4;
	_ =	sdelay $0x1  }
0xc8: {  	v3 =	vadd.s32 v1, v3;
	_ =	sdelay $0x2  }
0xc9: {  	[tilespmem:s14], [sflag:$0x2] =	stream.indirect_vreg.gather [hbm4b:s1+s24], $0x80, v4, vm0, $0xb8;
	[tilespmem:$0x14800] =	vst v63  }
0xca: {  	_ = 	snop  }
0xcb: {  	[tilespmem:s15], [sflag:$0x2] =	stream.indirect_vreg.gather [hbm4b:s1+s24], $0x80, v3, vm0, $0xb8;
	[tilespmem:$0x14800] =	vst v63  }
0xcc: {  	_ =	swait.ge [sflag:s16], $0x8000  }
0xcd: {  	s29 =	sshll.u32 s19, $0x5;
	[sflag:s16] =	ssyncset.done $0x0  }
0xce: {  	s21 =	sand.u32 $0x3FFFFF80, s29;
	[sflag:s16] =	ssyncadd.s32 $0xFFFF8000  }
0xcf: {  	v3 =	vld [tilespmem:s21+$0x4000]  }
0xd0: {  	v4 =	vld [tilespmem:s21+$0x4010]  }
0xd1: {  	v5 =	vld [tilespmem:s21+$0x4020]  }
0xd2: {  	v6 =	vld [tilespmem:s21+$0x4030]  }
0xd3: {  	v7 =	vld [tilespmem:s21+$0x4040]  }
0xd4: {  	v8 =	vld [tilespmem:s21+$0x4050]  }
0xd5: {  	v9 =	vld [tilespmem:s21+$0x4060]  }
0xd6: {  	v10 =	vld [tilespmem:s21+$0x4070]  }
0xd7: {  	v11 =	vld [tilespmem:s21+$0x4400]  }
0xd8: {  	v12 =	vld [tilespmem:s21+$0x4410]  }
0xd9: {  	v13 =	vld [tilespmem:s21+$0x4420]  }
0xda: {  	v14 =	vld [tilespmem:s21+$0x4470]  }
0xdb: {  	v15 =	vld [tilespmem:s21+$0x4430]  }
0xdc: {  	v17 =	vld [tilespmem:s21+$0x4440]  }
0xdd: {  	s30 =	sand.u32 $0x7800, s24;
	s24 =	sand.u32 $0x300, s24;
	v16 =	vld [tilespmem:s21+$0x4450]  }
0xde: {  	s24 =	sor.u32 s24, s30;
	v18 =	vld [tilespmem:s21+$0x4460]  }
0xdf: {  	[tilespmem:s24+$0x4CF0] =	vst.add.f32.msk $0xffff, v14  }
0xe0: {  	[tilespmem:s24+$0x4800] =	vst.add.f32.msk $0xffff, v3  }
0xe1: {  	[tilespmem:s24+$0x4810] =	vst.add.f32.msk $0xffff, v4  }
0xe2: {  	[tilespmem:s24+$0x4820] =	vst.add.f32.msk $0xffff, v5  }
0xe3: {  	[tilespmem:s24+$0x4830] =	vst.add.f32.msk $0xffff, v6  }
0xe4: {  	[tilespmem:s24+$0x4840] =	vst.add.f32.msk $0xffff, v7  }
0xe5: {  	[tilespmem:s24+$0x4850] =	vst.add.f32.msk $0xffff, v8  }
0xe6: {  	[tilespmem:s24+$0x4860] =	vst.add.f32.msk $0xffff, v9  }
0xe7: {  	[tilespmem:s24+$0x4870] =	vst.add.f32.msk $0xffff, v10  }
0xe8: {  	[tilespmem:s24+$0x4C00] =	vst.add.f32.msk $0xffff, v11  }
0xe9: {  	[tilespmem:s24+$0x4C10] =	vst.add.f32.msk $0xffff, v12  }
0xea: {  	[tilespmem:s24+$0x4C20] =	vst.add.f32.msk $0xffff, v13  }
0xeb: {  	[tilespmem:s24+$0x4C30] =	vst.add.f32.msk $0xffff, v15  }
0xec: {  	[tilespmem:s24+$0x4C40] =	vst.add.f32.msk $0xffff, v17  }
0xed: {  	[tilespmem:s24+$0x4C50] =	vst.add.f32.msk $0xffff, v16  }
0xee: {  	[tilespmem:s24+$0x4C60] =	vst.add.f32.msk $0xffff, v18  }
0xef: {  	[tilespmem:s24+$0x4C70] =	vst.add.f32.msk $0xffff, v14  }
0xf0: {  	[tilespmem:s24+$0x4880] =	vst.add.f32.msk $0xffff, v3  }
0xf1: {  	[tilespmem:s24+$0x4890] =	vst.add.f32.msk $0xffff, v4  }
0xf2: {  	[tilespmem:s24+$0x48A0] =	vst.add.f32.msk $0xffff, v5  }
0xf3: {  	[tilespmem:s24+$0x48B0] =	vst.add.f32.msk $0xffff, v6  }
0xf4: {  	[tilespmem:s24+$0x48C0] =	vst.add.f32.msk $0xffff, v7  }
0xf5: {  	[tilespmem:s24+$0x48D0] =	vst.add.f32.msk $0xffff, v8  }
0xf6: {  	[tilespmem:s24+$0x48E0] =	vst.add.f32.msk $0xffff, v9  }
0xf7: {  	[tilespmem:s24+$0x48F0] =	vst.add.f32.msk $0xffff, v10  }
0xf8: {  	[tilespmem:s24+$0x4C80] =	vst.add.f32.msk $0xffff, v11  }
0xf9: {  	[tilespmem:s24+$0x4C90] =	vst.add.f32.msk $0xffff, v12  }
0xfa: {  	[tilespmem:s24+$0x4CA0] =	vst.add.f32.msk $0xffff, v13  }
0xfb: {  	s28 =	simm.s32 $0x200;
	[tilespmem:s24+$0x4CB0] =	vst.add.f32.msk $0xffff, v15  }
0xfc: {  	s25 =	simm.s32 $0x0;
	s26 =	simm.s32 $0x100;
	s20 =	sor.u32 $0x80, s20;
	[tilespmem:s24+$0x4CC0] =	vst.add.f32.msk $0xffff, v17  }
.LBB2_3:
0xfd: {  	s29 =	sand.u32 $0x7800, s28;
	s30 =	sand.u32 $0x300, s26;
	s25 =	sadd.s32 $0x2, s25;
	[tilespmem:s24+$0x4CD0] =	vst.add.f32.msk $0xffff, v16  }
0xfe: {  	p0 =	slt.u32 s25, $0x7E;
	[tilespmem:s24+$0x4CE0] =	vst.add.f32.msk $0xffff, v18;
	s24 =	sor.u32 s30, s29  }
0xff: {  	[tilespmem:s24+$0x4CF0] =	vst.add.f32.msk $0xffff, v14  }
0x100: {  	[tilespmem:s24+$0x4800] =	vst.add.f32.msk $0xffff, v3  }
0x101: {  	[tilespmem:s24+$0x4810] =	vst.add.f32.msk $0xffff, v4  }
0x102: {  	[tilespmem:s24+$0x4820] =	vst.add.f32.msk $0xffff, v5  }
0x103: {  	[tilespmem:s24+$0x4830] =	vst.add.f32.msk $0xffff, v6  }
0x104: {  	[tilespmem:s24+$0x4840] =	vst.add.f32.msk $0xffff, v7  }
0x105: {  	[tilespmem:s24+$0x4850] =	vst.add.f32.msk $0xffff, v8  }
0x106: {  	[tilespmem:s24+$0x4860] =	vst.add.f32.msk $0xffff, v9  }
0x107: {  	[tilespmem:s24+$0x4870] =	vst.add.f32.msk $0xffff, v10  }
0x108: {  	[tilespmem:s24+$0x4C00] =	vst.add.f32.msk $0xffff, v11  }
0x109: {  	[tilespmem:s24+$0x4C10] =	vst.add.f32.msk $0xffff, v12  }
0x10a: {  	[tilespmem:s24+$0x4C20] =	vst.add.f32.msk $0xffff, v13  }
0x10b: {  	[tilespmem:s24+$0x4C30] =	vst.add.f32.msk $0xffff, v15  }
0x10c: {  	[tilespmem:s24+$0x4C40] =	vst.add.f32.msk $0xffff, v17  }
0x10d: {  	[tilespmem:s24+$0x4C50] =	vst.add.f32.msk $0xffff, v16  }
0x10e: {  	[tilespmem:s24+$0x4C60] =	vst.add.f32.msk $0xffff, v18  }
0x10f: {  	[tilespmem:s24+$0x4C70] =	vst.add.f32.msk $0xffff, v14  }
0x110: {  	[tilespmem:s24+$0x4880] =	vst.add.f32.msk $0xffff, v3  }
0x111: {  	[tilespmem:s24+$0x4890] =	vst.add.f32.msk $0xffff, v4  }
0x112: {  	[tilespmem:s24+$0x48A0] =	vst.add.f32.msk $0xffff, v5  }
0x113: {  	[tilespmem:s24+$0x48B0] =	vst.add.f32.msk $0xffff, v6  }
0x114: {  	[tilespmem:s24+$0x48C0] =	vst.add.f32.msk $0xffff, v7  }
0x115: {  	[tilespmem:s24+$0x48D0] =	vst.add.f32.msk $0xffff, v8  }
0x116: {  	[tilespmem:s24+$0x48E0] =	vst.add.f32.msk $0xffff, v9  }
0x117: {  	[tilespmem:s24+$0x48F0] =	vst.add.f32.msk $0xffff, v10  }
.Ltmp0:
0x118: {  	[tilespmem:s24+$0x4C80] =	vst.add.f32.msk $0xffff, v11;
	(pc) =	sbr.rel @p0 .LBB2_3-.Ltmp0, $4  }
0x119: {  	[tilespmem:s24+$0x4C90] =	vst.add.f32.msk $0xffff, v12  }
0x11a: {  	[tilespmem:s24+$0x4CA0] =	vst.add.f32.msk $0xffff, v13  }
0x11b: {  	[tilespmem:s24+$0x4CB0] =	vst.add.f32.msk $0xffff, v15  }
0x11c: {  	s26 =	sadd.s32 $0x100, s26;
	s28 =	sadd.s32 $0x200, s28;
	[tilespmem:s24+$0x4CC0] =	vst.add.f32.msk $0xffff, v17  }
0x11d: {  	[tilespmem:s24+$0x4CD0] =	vst.add.f32.msk $0xffff, v16;
	s23 =	sand.u32 $0x3FFFFC00, s23  }
0x11e: {  	[tilespmem:s24+$0x4CE0] =	vst.add.f32.msk $0xffff, v18;
	s22 =	sor.u32 s22, s23  }
0x11f: {  	v3 =	vld [tilespmem:s22+$0x2000];
	_ =	sdelay $0x4  }
0x120: {  	v4 =	vshll.u32 v3, $0x1  }
0x121: {  	v3 =	vand.u32 $0x7, v3;
	v4 =	vand.u32 $0xFFFFFFF0, v4  }
0x122: {  	v3 =	vor.u32 v3, v4  }
0x123: {  	v4 =	vperm.xlane v3, v0;
	_ =	sdelay $0x1  }
0x124: {  	v3 =	vperm.xlane v3, v2;
	v4 =	vadd.s32 v1, v4;
	_ =	sdelay $0x1  }
0x125: {  	v3 =	vadd.s32 v1, v3;
	_ =	sdelay $0x1  }
0x126: {  	s26 =	simm.s32 $0x4800  }
0x127: {  	[hbm4b:s3+s4] =	stream.indirect_vreg.scatter [tilespmem:s26], [sflag:$0x3], $0x80, v4, vm0, $0xb8;
	[tilespmem:$0x14800] =	vst v63  }
0x128: {  	s28 =	simm.s32 $0x5000  }
0x129: {  	[hbm4b:s3+s4] =	stream.indirect_vreg.scatter [tilespmem:s28], [sflag:$0x3], $0x80, v3, vm0, $0xb8;
	[tilespmem:$0x14800] =	vst v63  }
0x12a: {  	v3 =	vld [tilespmem:s22+$0x2010];
	_ =	sdelay $0x4  }
0x12b: {  	v57 =	vshll.u32 v3, $0x1  }
0x12c: {  	v3 =	vand.u32 $0x7, v3;
	v4 =	vand.u32 $0xFFFFFFF0, v57  }
0x12d: {  	v3 =	vor.u32 v3, v4  }
0x12e: {  	v4 =	vperm.xlane v3, v0;
	_ =	sdelay $0x1  }
0x12f: {  	v3 =	vperm.xlane v3, v2;
	v4 =	vadd.s32 v1, v4;
	_ =	sdelay $0x1  }
0x130: {  	v3 =	vadd.s32 v1, v3;
	_ =	sdelay $0x1  }
0x131: {  	s29 =	simm.s32 $0x5800  }
0x132: {  	[hbm4b:s3+s4] =	stream.indirect_vreg.scatter [tilespmem:s29], [sflag:$0x3], $0x80, v4, vm0, $0xb8;
	[tilespmem:$0x14800] =	vst v63  }
0x133: {  	s30 =	simm.s32 $0x6000  }
0x134: {  	[hbm4b:s3+s4] =	stream.indirect_vreg.scatter [tilespmem:s30], [sflag:$0x3], $0x80, v3, vm0, $0xb8;
	[tilespmem:$0x14800] =	vst v63  }
0x135: {  	v3 =	vld [tilespmem:s22+$0x2020];
	_ =	sdelay $0x4  }
0x136: {  	v58 =	vshll.u32 v3, $0x1  }
0x137: {  	v3 =	vand.u32 $0x7, v3;
	v4 =	vand.u32 $0xFFFFFFF0, v58  }
0x138: {  	v3 =	vor.u32 v3, v4  }
0x139: {  	v4 =	vperm.xlane v3, v0;
	_ =	sdelay $0x1  }
0x13a: {  	v3 =	vperm.xlane v3, v2;
	v4 =	vadd.s32 v1, v4;
	_ =	sdelay $0x1  }
0x13b: {  	v3 =	vadd.s32 v1, v3;
	_ =	sdelay $0x1  }
0x13c: {  	s24 =	simm.s32 $0x6800  }
0x13d: {  	[hbm4b:s3+s4] =	stream.indirect_vreg.scatter [tilespmem:s24], [sflag:$0x3], $0x80, v4, vm0, $0xb8;
	[tilespmem:$0x14800] =	vst v63  }
0x13e: {  	s25 =	simm.s32 $0x7000  }
0x13f: {  	[hbm4b:s3+s4] =	stream.indirect_vreg.scatter [tilespmem:s25], [sflag:$0x3], $0x80, v3, vm0, $0xb8;
	[tilespmem:$0x14800] =	vst v63  }
0x140: {  	v3 =	vld [tilespmem:s22+$0x2030];
	_ =	sdelay $0x4  }
0x141: {  	v59 =	vshll.u32 v3, $0x1  }
0x142: {  	v3 =	vand.u32 $0x7, v3;
	v4 =	vand.u32 $0xFFFFFFF0, v59  }
0x143: {  	v3 =	vor.u32 v3, v4  }
0x144: {  	v4 =	vperm.xlane v3, v0;
	_ =	sdelay $0x1  }
0x145: {  	v3 =	vperm.xlane v3, v2;
	v4 =	vadd.s32 v1, v4;
	_ =	sdelay $0x1  }
0x146: {  	v3 =	vadd.s32 v1, v3;
	_ =	sdelay $0x1  }
0x147: {  	s26 =	simm.s32 $0x7800  }
0x148: {  	[hbm4b:s3+s4] =	stream.indirect_vreg.scatter [tilespmem:s26], [sflag:$0x3], $0x80, v4, vm0, $0xb8;
	[tilespmem:$0x14800] =	vst v63  }
0x149: {  	s28 =	simm.s32 $0x8000  }
0x14a: {  	[hbm4b:s3+s4] =	stream.indirect_vreg.scatter [tilespmem:s28], [sflag:$0x3], $0x80, v3, vm0, $0xb8;
	[tilespmem:$0x14800] =	vst v63  }
0x14b: {  	v3 =	vld [tilespmem:s22+$0x2040];
	_ =	sdelay $0x4  }
0x14c: {  	v60 =	vshll.u32 v3, $0x1  }
0x14d: {  	v3 =	vand.u32 $0x7, v3;
	v4 =	vand.u32 $0xFFFFFFF0, v60  }
0x14e: {  	v3 =	vor.u32 v3, v4  }
0x14f: {  	v4 =	vperm.xlane v3, v0;
	_ =	sdelay $0x1  }
0x150: {  	v3 =	vperm.xlane v3, v2;
	v4 =	vadd.s32 v1, v4;
	_ =	sdelay $0x1  }
0x151: {  	v3 =	vadd.s32 v1, v3;
	_ =	sdelay $0x1  }
0x152: {  	s29 =	simm.s32 $0x8800  }
0x153: {  	[hbm4b:s3+s4] =	stream.indirect_vreg.scatter [tilespmem:s29], [sflag:$0x3], $0x80, v4, vm0, $0xb8;
	[tilespmem:$0x14800] =	vst v63  }
0x154: {  	s30 =	simm.s32 $0x9000  }
0x155: {  	[hbm4b:s3+s4] =	stream.indirect_vreg.scatter [tilespmem:s30], [sflag:$0x3], $0x80, v3, vm0, $0xb8;
	[tilespmem:$0x14800] =	vst v63  }
0x156: {  	v3 =	vld [tilespmem:s22+$0x2050];
	_ =	sdelay $0x4  }
0x157: {  	v61 =	vshll.u32 v3, $0x1  }
0x158: {  	v3 =	vand.u32 $0x7, v3;
	v4 =	vand.u32 $0xFFFFFFF0, v61  }
0x159: {  	v3 =	vor.u32 v3, v4  }
0x15a: {  	v4 =	vperm.xlane v3, v0;
	_ =	sdelay $0x1  }
0x15b: {  	v3 =	vperm.xlane v3, v2;
	v4 =	vadd.s32 v1, v4;
	_ =	sdelay $0x1  }
0x15c: {  	v3 =	vadd.s32 v1, v3;
	_ =	sdelay $0x1  }
0x15d: {  	s24 =	simm.s32 $0x9800  }
0x15e: {  	[hbm4b:s3+s4] =	stream.indirect_vreg.scatter [tilespmem:s24], [sflag:$0x3], $0x80, v4, vm0, $0xb8;
	[tilespmem:$0x14800] =	vst v63  }
0x15f: {  	s25 =	simm.s32 $0xA000  }
0x160: {  	[hbm4b:s3+s4] =	stream.indirect_vreg.scatter [tilespmem:s25], [sflag:$0x3], $0x80, v3, vm0, $0xb8;
	[tilespmem:$0x14800] =	vst v63  }
0x161: {  	v3 =	vld [tilespmem:s22+$0x2060];
	_ =	sdelay $0x4  }
0x162: {  	v62 =	vshll.u32 v3, $0x1  }
0x163: {  	v3 =	vand.u32 $0x7, v3;
	v4 =	vand.u32 $0xFFFFFFF0, v62  }
0x164: {  	v3 =	vor.u32 v3, v4  }
0x165: {  	v4 =	vperm.xlane v3, v0;
	_ =	sdelay $0x1  }
0x166: {  	v3 =	vperm.xlane v3, v2;
	v4 =	vadd.s32 v1, v4;
	_ =	sdelay $0x1  }
0x167: {  	v3 =	vadd.s32 v1, v3;
	_ =	sdelay $0x1  }
0x168: {  	s26 =	simm.s32 $0xA800  }
0x169: {  	[hbm4b:s3+s4] =	stream.indirect_vreg.scatter [tilespmem:s26], [sflag:$0x3], $0x80, v4, vm0, $0xb8;
	[tilespmem:$0x14800] =	vst v63  }
0x16a: {  	s28 =	simm.s32 $0xB000  }
0x16b: {  	[hbm4b:s3+s4] =	stream.indirect_vreg.scatter [tilespmem:s28], [sflag:$0x3], $0x80, v3, vm0, $0xb8;
	[tilespmem:$0x14800] =	vst v63  }
0x16c: {  	v3 =	vld [tilespmem:s22+$0x2070];
	_ =	sdelay $0x4  }
0x16d: {  	v63 =	vshll.u32 v3, $0x1  }
0x16e: {  	v3 =	vand.u32 $0x7, v3;
	v4 =	vand.u32 $0xFFFFFFF0, v63  }
0x16f: {  	v3 =	vor.u32 v3, v4  }
0x170: {  	v4 =	vperm.xlane v3, v0;
	_ =	sdelay $0x1  }
0x171: {  	v3 =	vperm.xlane v3, v2;
	v4 =	vadd.s32 v1, v4;
	_ =	sdelay $0x1  }
0x172: {  	v3 =	vadd.s32 v1, v3;
	_ =	sdelay $0x1  }
0x173: {  	p0 =	seq.s32 s19, $0x1F;
	s29 =	simm.s32 $0xB800  }
0x174: {  	[hbm4b:s3+s4] =	stream.indirect_vreg.scatter [tilespmem:s29], [sflag:$0x3], $0x80, v4, vm0, $0xb8;
	[tilespmem:$0x14800] =	vst v63  }
.Ltmp1:
0x175: {  	s30 =	simm.s32 $0xC000;
	(pc) =	sbr.rel @p0 .LBB2_6-.Ltmp1, $4  }
0x176: {  	[hbm4b:s3+s4] =	stream.indirect_vreg.scatter [tilespmem:s30], [sflag:$0x3], $0x80, v3, vm0, $0xb8;
	[tilespmem:$0x14800] =	vst v63  }
0x177: {  	_ =	swait.ge [sflag:s17], $0x8000  }
0x178: {  	[sflag:s17] =	ssyncset.done $0x0  }
0x179: {  	[sflag:s17] =	ssyncadd.s32 $0xFFFF8000  }
0x17a: {  	s22 =	sshll.u32 s19, $0xA  }
0x17b: {  	s22 =	sadd.s32 $0x400, s22  }
0x17c: {  	s22 =	sand.u32 $0xFC00, s22  }
0x17d: {  	s22 =	sshrl.u32 s22, $0x2  }
0x17e: {  	v3 =	vld [tilespmem:s22+$0x0];
	_ =	sdelay $0x4  }
0x17f: {  	v4 =	vshll.u32 v3, $0x1  }
0x180: {  	v3 =	vand.u32 $0x7, v3;
	v4 =	vand.u32 $0xFFFFFFF0, v4  }
0x181: {  	v3 =	vor.u32 v3, v4  }
0x182: {  	v4 =	vperm.xlane v3, v0;
	_ =	sdelay $0x1  }
0x183: {  	v3 =	vperm.xlane v3, v2;
	v4 =	vadd.s32 v1, v4;
	_ =	sdelay $0x1  }
0x184: {  	v3 =	vadd.s32 v1, v3;
	_ =	sdelay $0x1  }
0x185: {  	s23 =	simm.s32 $0x4800  }
0x186: {  	[tilespmem:s23], [sflag:$0x1] =	stream.indirect_vreg.gather [hbm4b:s1+s4], $0x80, v4, vm0, $0xb8;
	[tilespmem:$0x14800] =	vst v63  }
0x187: {  	s28 =	simm.s32 $0x5000  }
0x188: {  	[tilespmem:s28], [sflag:$0x1] =	stream.indirect_vreg.gather [hbm4b:s1+s4], $0x80, v3, vm0, $0xb8;
	[tilespmem:$0x14800] =	vst v63  }
0x189: {  	v3 =	vld [tilespmem:s22+$0x10];
	_ =	sdelay $0x4  }
0x18a: {  	v57 =	vshll.u32 v3, $0x1  }
0x18b: {  	v3 =	vand.u32 $0x7, v3;
	v4 =	vand.u32 $0xFFFFFFF0, v57  }
0x18c: {  	v3 =	vor.u32 v3, v4  }
0x18d: {  	v4 =	vperm.xlane v3, v0;
	_ =	sdelay $0x1  }
0x18e: {  	v3 =	vperm.xlane v3, v2;
	v4 =	vadd.s32 v1, v4;
	_ =	sdelay $0x1  }
0x18f: {  	v3 =	vadd.s32 v1, v3;
	_ =	sdelay $0x1  }
0x190: {  	s29 =	simm.s32 $0x5800  }
0x191: {  	[tilespmem:s29], [sflag:$0x1] =	stream.indirect_vreg.gather [hbm4b:s1+s4], $0x80, v4, vm0, $0xb8;
	[tilespmem:$0x14800] =	vst v63  }
0x192: {  	s30 =	simm.s32 $0x6000  }
0x193: {  	[tilespmem:s30], [sflag:$0x1] =	stream.indirect_vreg.gather [hbm4b:s1+s4], $0x80, v3, vm0, $0xb8;
	[tilespmem:$0x14800] =	vst v63  }
0x194: {  	v3 =	vld [tilespmem:s22+$0x20];
	_ =	sdelay $0x4  }
0x195: {  	v58 =	vshll.u32 v3, $0x1  }
0x196: {  	v3 =	vand.u32 $0x7, v3;
	v4 =	vand.u32 $0xFFFFFFF0, v58  }
0x197: {  	v3 =	vor.u32 v3, v4  }
0x198: {  	v4 =	vperm.xlane v3, v0;
	_ =	sdelay $0x1  }
0x199: {  	v3 =	vperm.xlane v3, v2;
	v4 =	vadd.s32 v1, v4;
	_ =	sdelay $0x1  }
0x19a: {  	v3 =	vadd.s32 v1, v3;
	_ =	sdelay $0x1  }
0x19b: {  	s24 =	simm.s32 $0x6800  }
0x19c: {  	[tilespmem:s24], [sflag:$0x1] =	stream.indirect_vreg.gather [hbm4b:s1+s4], $0x80, v4, vm0, $0xb8;
	[tilespmem:$0x14800] =	vst v63  }
0x19d: {  	s25 =	simm.s32 $0x7000  }
0x19e: {  	[tilespmem:s25], [sflag:$0x1] =	stream.indirect_vreg.gather [hbm4b:s1+s4], $0x80, v3, vm0, $0xb8;
	[tilespmem:$0x14800] =	vst v63  }
0x19f: {  	v3 =	vld [tilespmem:s22+$0x30];
	_ =	sdelay $0x4  }
0x1a0: {  	v59 =	vshll.u32 v3, $0x1  }
0x1a1: {  	v3 =	vand.u32 $0x7, v3;
	v4 =	vand.u32 $0xFFFFFFF0, v59  }
0x1a2: {  	v3 =	vor.u32 v3, v4  }
0x1a3: {  	v4 =	vperm.xlane v3, v0;
	_ =	sdelay $0x1  }
0x1a4: {  	v3 =	vperm.xlane v3, v2;
	v4 =	vadd.s32 v1, v4;
	_ =	sdelay $0x1  }
0x1a5: {  	v3 =	vadd.s32 v1, v3;
	_ =	sdelay $0x1  }
0x1a6: {  	s26 =	simm.s32 $0x7800  }
0x1a7: {  	[tilespmem:s26], [sflag:$0x1] =	stream.indirect_vreg.gather [hbm4b:s1+s4], $0x80, v4, vm0, $0xb8;
	[tilespmem:$0x14800] =	vst v63  }
0x1a8: {  	s28 =	simm.s32 $0x8000  }
0x1a9: {  	[tilespmem:s28], [sflag:$0x1] =	stream.indirect_vreg.gather [hbm4b:s1+s4], $0x80, v3, vm0, $0xb8;
	[tilespmem:$0x14800] =	vst v63  }
0x1aa: {  	v3 =	vld [tilespmem:s22+$0x40];
	_ =	sdelay $0x4  }
0x1ab: {  	v60 =	vshll.u32 v3, $0x1  }
0x1ac: {  	v3 =	vand.u32 $0x7, v3;
	v4 =	vand.u32 $0xFFFFFFF0, v60  }
0x1ad: {  	v3 =	vor.u32 v3, v4  }
0x1ae: {  	v4 =	vperm.xlane v3, v0;
	_ =	sdelay $0x1  }
0x1af: {  	v3 =	vperm.xlane v3, v2;
	v4 =	vadd.s32 v1, v4;
	_ =	sdelay $0x1  }
0x1b0: {  	v3 =	vadd.s32 v1, v3;
	_ =	sdelay $0x1  }
0x1b1: {  	s29 =	simm.s32 $0x8800  }
0x1b2: {  	[tilespmem:s29], [sflag:$0x1] =	stream.indirect_vreg.gather [hbm4b:s1+s4], $0x80, v4, vm0, $0xb8;
	[tilespmem:$0x14800] =	vst v63  }
0x1b3: {  	s30 =	simm.s32 $0x9000  }
0x1b4: {  	[tilespmem:s30], [sflag:$0x1] =	stream.indirect_vreg.gather [hbm4b:s1+s4], $0x80, v3, vm0, $0xb8;
	[tilespmem:$0x14800] =	vst v63  }
0x1b5: {  	v3 =	vld [tilespmem:s22+$0x50];
	_ =	sdelay $0x4  }
0x1b6: {  	v61 =	vshll.u32 v3, $0x1  }
0x1b7: {  	v3 =	vand.u32 $0x7, v3;
	v4 =	vand.u32 $0xFFFFFFF0, v61  }
0x1b8: {  	v3 =	vor.u32 v3, v4  }
0x1b9: {  	v4 =	vperm.xlane v3, v0;
	_ =	sdelay $0x1  }
0x1ba: {  	v3 =	vperm.xlane v3, v2;
	v4 =	vadd.s32 v1, v4;
	_ =	sdelay $0x1  }
0x1bb: {  	v3 =	vadd.s32 v1, v3;
	_ =	sdelay $0x1  }
0x1bc: {  	s24 =	simm.s32 $0x9800  }
0x1bd: {  	[tilespmem:s24], [sflag:$0x1] =	stream.indirect_vreg.gather [hbm4b:s1+s4], $0x80, v4, vm0, $0xb8;
	[tilespmem:$0x14800] =	vst v63  }
0x1be: {  	s25 =	simm.s32 $0xA000  }
0x1bf: {  	[tilespmem:s25], [sflag:$0x1] =	stream.indirect_vreg.gather [hbm4b:s1+s4], $0x80, v3, vm0, $0xb8;
	[tilespmem:$0x14800] =	vst v63  }
0x1c0: {  	v3 =	vld [tilespmem:s22+$0x60];
	_ =	sdelay $0x4  }
0x1c1: {  	v62 =	vshll.u32 v3, $0x1  }
0x1c2: {  	v3 =	vand.u32 $0x7, v3;
	v4 =	vand.u32 $0xFFFFFFF0, v62  }
0x1c3: {  	v3 =	vor.u32 v3, v4  }
0x1c4: {  	v4 =	vperm.xlane v3, v0;
	_ =	sdelay $0x1  }
0x1c5: {  	v3 =	vperm.xlane v3, v2;
	v4 =	vadd.s32 v1, v4;
	_ =	sdelay $0x1  }
0x1c6: {  	v3 =	vadd.s32 v1, v3;
	_ =	sdelay $0x1  }
0x1c7: {  	s26 =	simm.s32 $0xA800  }
0x1c8: {  	[tilespmem:s26], [sflag:$0x1] =	stream.indirect_vreg.gather [hbm4b:s1+s4], $0x80, v4, vm0, $0xb8;
	[tilespmem:$0x14800] =	vst v63  }
0x1c9: {  	s28 =	simm.s32 $0xB000  }
0x1ca: {  	[tilespmem:s28], [sflag:$0x1] =	stream.indirect_vreg.gather [hbm4b:s1+s4], $0x80, v3, vm0, $0xb8;
	[tilespmem:$0x14800] =	vst v63  }
0x1cb: {  	v3 =	vld [tilespmem:s22+$0x70];
	_ =	sdelay $0x4  }
0x1cc: {  	v63 =	vshll.u32 v3, $0x1  }
0x1cd: {  	v3 =	vand.u32 $0x7, v3;
	v4 =	vand.u32 $0xFFFFFFF0, v63  }
0x1ce: {  	v3 =	vor.u32 v3, v4  }
0x1cf: {  	v4 =	vperm.xlane v3, v0;
	_ =	sdelay $0x1  }
0x1d0: {  	v3 =	vperm.xlane v3, v2;
	v4 =	vadd.s32 v1, v4;
	_ =	sdelay $0x1  }
0x1d1: {  	v3 =	vadd.s32 v1, v3;
	_ =	sdelay $0x1  }
0x1d2: {  	s29 =	simm.s32 $0xB800  }
0x1d3: {  	[tilespmem:s29], [sflag:$0x1] =	stream.indirect_vreg.gather [hbm4b:s1+s4], $0x80, v4, vm0, $0xb8;
	[tilespmem:$0x14800] =	vst v63  }
0x1d4: {  	s30 =	simm.s32 $0xC000  }
0x1d5: {  	[tilespmem:s30], [sflag:$0x1] =	stream.indirect_vreg.gather [hbm4b:s1+s4], $0x80, v3, vm0, $0xb8;
	[tilespmem:$0x14800] =	vst v63  }
.LBB2_6:
0x1d6: {  	_ =	swait.ge [sflag:s18], $0x8000  }
0x1d7: {  	[sflag:s18] =	ssyncset.done $0x0  }
0x1d8: {  	[sflag:s18] =	ssyncadd.s32 $0xFFFF8000  }
0x1d9: {  	v3 =	vld [tilespmem:s21+$0x4000]  }
0x1da: {  	v4 =	vld [tilespmem:s21+$0x4010]  }
0x1db: {  	v5 =	vld [tilespmem:s21+$0x4020]  }
0x1dc: {  	v6 =	vld [tilespmem:s21+$0x4030]  }
0x1dd: {  	v7 =	vld [tilespmem:s21+$0x4040]  }
0x1de: {  	v8 =	vld [tilespmem:s21+$0x4050]  }
0x1df: {  	v9 =	vld [tilespmem:s21+$0x4060]  }
0x1e0: {  	v10 =	vld [tilespmem:s21+$0x4070]  }
0x1e1: {  	v11 =	vld [tilespmem:s21+$0x4400]  }
0x1e2: {  	v12 =	vld [tilespmem:s21+$0x4410]  }
0x1e3: {  	v13 =	vld [tilespmem:s21+$0x4420]  }
0x1e4: {  	v14 =	vld [tilespmem:s21+$0x4470]  }
0x1e5: {  	v15 =	vld [tilespmem:s21+$0x4430]  }
0x1e6: {  	s22 =	simm.s32 $0x0;
	v16 =	vld [tilespmem:s21+$0x4440]  }
0x1e7: {  	s23 =	sand.u32 $0x7800, s22;
	s22 =	sand.u32 $0x300, s22;
	v17 =	vld [tilespmem:s21+$0x4450]  }
0x1e8: {  	v18 =	vld [tilespmem:s21+$0x4460];
	s21 =	sor.u32 s22, s23  }
0x1e9: {  	[tilespmem:s21+$0xCCF0] =	vst.add.f32.msk $0xffff, v14  }
0x1ea: {  	[tilespmem:s21+$0xC800] =	vst.add.f32.msk $0xffff, v3  }
0x1eb: {  	[tilespmem:s21+$0xC810] =	vst.add.f32.msk $0xffff, v4  }
0x1ec: {  	[tilespmem:s21+$0xC820] =	vst.add.f32.msk $0xffff, v5  }
0x1ed: {  	[tilespmem:s21+$0xC830] =	vst.add.f32.msk $0xffff, v6  }
0x1ee: {  	[tilespmem:s21+$0xC840] =	vst.add.f32.msk $0xffff, v7  }
0x1ef: {  	[tilespmem:s21+$0xC850] =	vst.add.f32.msk $0xffff, v8  }
0x1f0: {  	[tilespmem:s21+$0xC860] =	vst.add.f32.msk $0xffff, v9  }
0x1f1: {  	[tilespmem:s21+$0xC870] =	vst.add.f32.msk $0xffff, v10  }
0x1f2: {  	[tilespmem:s21+$0xCC00] =	vst.add.f32.msk $0xffff, v11  }
0x1f3: {  	[tilespmem:s21+$0xCC10] =	vst.add.f32.msk $0xffff, v12  }
0x1f4: {  	[tilespmem:s21+$0xCC20] =	vst.add.f32.msk $0xffff, v13  }
0x1f5: {  	[tilespmem:s21+$0xCC30] =	vst.add.f32.msk $0xffff, v15  }
0x1f6: {  	[tilespmem:s21+$0xCC40] =	vst.add.f32.msk $0xffff, v16  }
0x1f7: {  	[tilespmem:s21+$0xCC50] =	vst.add.f32.msk $0xffff, v17  }
0x1f8: {  	[tilespmem:s21+$0xCC60] =	vst.add.f32.msk $0xffff, v18  }
0x1f9: {  	[tilespmem:s21+$0xCC70] =	vst.add.f32.msk $0xffff, v14  }
0x1fa: {  	[tilespmem:s21+$0xC880] =	vst.add.f32.msk $0xffff, v3  }
0x1fb: {  	[tilespmem:s21+$0xC890] =	vst.add.f32.msk $0xffff, v4  }
0x1fc: {  	[tilespmem:s21+$0xC8A0] =	vst.add.f32.msk $0xffff, v5  }
0x1fd: {  	[tilespmem:s21+$0xC8B0] =	vst.add.f32.msk $0xffff, v6  }
0x1fe: {  	[tilespmem:s21+$0xC8C0] =	vst.add.f32.msk $0xffff, v7  }
0x1ff: {  	[tilespmem:s21+$0xC8D0] =	vst.add.f32.msk $0xffff, v8  }
0x200: {  	[tilespmem:s21+$0xC8E0] =	vst.add.f32.msk $0xffff, v9  }
0x201: {  	[tilespmem:s21+$0xC8F0] =	vst.add.f32.msk $0xffff, v10  }
0x202: {  	[tilespmem:s21+$0xCC80] =	vst.add.f32.msk $0xffff, v11  }
0x203: {  	[tilespmem:s21+$0xCC90] =	vst.add.f32.msk $0xffff, v12  }
0x204: {  	[tilespmem:s21+$0xCCA0] =	vst.add.f32.msk $0xffff, v13  }
0x205: {  	[tilespmem:s21+$0xCCB0] =	vst.add.f32.msk $0xffff, v15  }
0x206: {  	s24 =	simm.s32 $0x200;
	s22 =	simm.s32 $0x0;
	s23 =	simm.s32 $0x100;
	[tilespmem:s21+$0xCCC0] =	vst.add.f32.msk $0xffff, v16  }
.LBB2_7:
0x207: {  	s25 =	sand.u32 $0x7800, s24;
	s26 =	sand.u32 $0x300, s23;
	s22 =	sadd.s32 $0x2, s22;
	[tilespmem:s21+$0xCCD0] =	vst.add.f32.msk $0xffff, v17  }
0x208: {  	p0 =	slt.u32 s22, $0x7E;
	[tilespmem:s21+$0xCCE0] =	vst.add.f32.msk $0xffff, v18;
	s21 =	sor.u32 s26, s25  }
0x209: {  	[tilespmem:s21+$0xCCF0] =	vst.add.f32.msk $0xffff, v14  }
0x20a: {  	[tilespmem:s21+$0xC800] =	vst.add.f32.msk $0xffff, v3  }
0x20b: {  	[tilespmem:s21+$0xC810] =	vst.add.f32.msk $0xffff, v4  }
0x20c: {  	[tilespmem:s21+$0xC820] =	vst.add.f32.msk $0xffff, v5  }
0x20d: {  	[tilespmem:s21+$0xC830] =	vst.add.f32.msk $0xffff, v6  }
0x20e: {  	[tilespmem:s21+$0xC840] =	vst.add.f32.msk $0xffff, v7  }
0x20f: {  	[tilespmem:s21+$0xC850] =	vst.add.f32.msk $0xffff, v8  }
0x210: {  	[tilespmem:s21+$0xC860] =	vst.add.f32.msk $0xffff, v9  }
0x211: {  	[tilespmem:s21+$0xC870] =	vst.add.f32.msk $0xffff, v10  }
0x212: {  	[tilespmem:s21+$0xCC00] =	vst.add.f32.msk $0xffff, v11  }
0x213: {  	[tilespmem:s21+$0xCC10] =	vst.add.f32.msk $0xffff, v12  }
0x214: {  	[tilespmem:s21+$0xCC20] =	vst.add.f32.msk $0xffff, v13  }
0x215: {  	[tilespmem:s21+$0xCC30] =	vst.add.f32.msk $0xffff, v15  }
0x216: {  	[tilespmem:s21+$0xCC40] =	vst.add.f32.msk $0xffff, v16  }
0x217: {  	[tilespmem:s21+$0xCC50] =	vst.add.f32.msk $0xffff, v17  }
0x218: {  	[tilespmem:s21+$0xCC60] =	vst.add.f32.msk $0xffff, v18  }
0x219: {  	[tilespmem:s21+$0xCC70] =	vst.add.f32.msk $0xffff, v14  }
0x21a: {  	[tilespmem:s21+$0xC880] =	vst.add.f32.msk $0xffff, v3  }
0x21b: {  	[tilespmem:s21+$0xC890] =	vst.add.f32.msk $0xffff, v4  }
0x21c: {  	[tilespmem:s21+$0xC8A0] =	vst.add.f32.msk $0xffff, v5  }
0x21d: {  	[tilespmem:s21+$0xC8B0] =	vst.add.f32.msk $0xffff, v6  }
0x21e: {  	[tilespmem:s21+$0xC8C0] =	vst.add.f32.msk $0xffff, v7  }
0x21f: {  	[tilespmem:s21+$0xC8D0] =	vst.add.f32.msk $0xffff, v8  }
0x220: {  	[tilespmem:s21+$0xC8E0] =	vst.add.f32.msk $0xffff, v9  }
0x221: {  	[tilespmem:s21+$0xC8F0] =	vst.add.f32.msk $0xffff, v10  }
.Ltmp2:
0x222: {  	[tilespmem:s21+$0xCC80] =	vst.add.f32.msk $0xffff, v11;
	(pc) =	sbr.rel @p0 .LBB2_7-.Ltmp2, $4  }
0x223: {  	[tilespmem:s21+$0xCC90] =	vst.add.f32.msk $0xffff, v12  }
0x224: {  	[tilespmem:s21+$0xCCA0] =	vst.add.f32.msk $0xffff, v13  }
0x225: {  	[tilespmem:s21+$0xCCB0] =	vst.add.f32.msk $0xffff, v15  }
0x226: {  	s23 =	sadd.s32 $0x100, s23;
	s24 =	sadd.s32 $0x200, s24;
	[tilespmem:s21+$0xCCC0] =	vst.add.f32.msk $0xffff, v16  }
0x227: {  	[tilespmem:s21+$0xCCD0] =	vst.add.f32.msk $0xffff, v17  }
0x228: {  	[tilespmem:s21+$0xCCE0] =	vst.add.f32.msk $0xffff, v18  }
0x229: {  	v3 =	vld [tilespmem:s20+$0x2000];
	_ =	sdelay $0x4  }
0x22a: {  	v4 =	vshll.u32 v3, $0x1  }
0x22b: {  	v3 =	vand.u32 $0x7, v3;
	v4 =	vand.u32 $0xFFFFFFF0, v4  }
0x22c: {  	v3 =	vor.u32 v3, v4  }
0x22d: {  	v4 =	vperm.xlane v3, v0;
	_ =	sdelay $0x1  }
0x22e: {  	v3 =	vperm.xlane v3, v2;
	v4 =	vadd.s32 v1, v4;
	_ =	sdelay $0x1  }
0x22f: {  	v3 =	vadd.s32 v1, v3;
	_ =	sdelay $0x1  }
0x230: {  	s25 =	simm.s32 $0xC800  }
0x231: {  	[hbm4b:s3+s4] =	stream.indirect_vreg.scatter [tilespmem:s25], [sflag:$0x3], $0x80, v4, vm0, $0xb8;
	[tilespmem:$0x14800] =	vst v63  }
0x232: {  	s26 =	simm.s32 $0xD000  }
0x233: {  	[hbm4b:s3+s4] =	stream.indirect_vreg.scatter [tilespmem:s26], [sflag:$0x3], $0x80, v3, vm0, $0xb8;
	[tilespmem:$0x14800] =	vst v63  }
0x234: {  	v3 =	vld [tilespmem:s20+$0x2010];
	_ =	sdelay $0x4  }
0x235: {  	v57 =	vshll.u32 v3, $0x1  }
0x236: {  	v3 =	vand.u32 $0x7, v3;
	v4 =	vand.u32 $0xFFFFFFF0, v57  }
0x237: {  	v3 =	vor.u32 v3, v4  }
0x238: {  	v4 =	vperm.xlane v3, v0;
	_ =	sdelay $0x1  }
0x239: {  	v3 =	vperm.xlane v3, v2;
	v4 =	vadd.s32 v1, v4;
	_ =	sdelay $0x1  }
0x23a: {  	v3 =	vadd.s32 v1, v3;
	_ =	sdelay $0x2  }
0x23b: {  	[hbm4b:s3+s4] =	stream.indirect_vreg.scatter [tilespmem:s31], [sflag:$0x3], $0x80, v4, vm0, $0xb8;
	[tilespmem:$0x14800] =	vst v63  }
0x23c: {  	_ = 	snop  }
0x23d: {  	[hbm4b:s3+s4] =	stream.indirect_vreg.scatter [tilespmem:s2], [sflag:$0x3], $0x80, v3, vm0, $0xb8;
	[tilespmem:$0x14800] =	vst v63  }
0x23e: {  	v3 =	vld [tilespmem:s20+$0x2020];
	_ =	sdelay $0x4  }
0x23f: {  	v58 =	vshll.u32 v3, $0x1  }
0x240: {  	v3 =	vand.u32 $0x7, v3;
	v4 =	vand.u32 $0xFFFFFFF0, v58  }
0x241: {  	v3 =	vor.u32 v3, v4  }
0x242: {  	v4 =	vperm.xlane v3, v0;
	_ =	sdelay $0x1  }
0x243: {  	v3 =	vperm.xlane v3, v2;
	v4 =	vadd.s32 v1, v4;
	_ =	sdelay $0x1  }
0x244: {  	v3 =	vadd.s32 v1, v3;
	_ =	sdelay $0x2  }
0x245: {  	[hbm4b:s3+s4] =	stream.indirect_vreg.scatter [tilespmem:s0], [sflag:$0x3], $0x80, v4, vm0, $0xb8;
	[tilespmem:$0x14800] =	vst v63  }
0x246: {  	_ = 	snop  }
0x247: {  	[hbm4b:s3+s4] =	stream.indirect_vreg.scatter [tilespmem:s10], [sflag:$0x3], $0x80, v3, vm0, $0xb8;
	[tilespmem:$0x14800] =	vst v63  }
0x248: {  	v3 =	vld [tilespmem:s20+$0x2030];
	_ =	sdelay $0x4  }
0x249: {  	v59 =	vshll.u32 v3, $0x1  }
0x24a: {  	v3 =	vand.u32 $0x7, v3;
	v4 =	vand.u32 $0xFFFFFFF0, v59  }
0x24b: {  	v3 =	vor.u32 v3, v4  }
0x24c: {  	v4 =	vperm.xlane v3, v0;
	_ =	sdelay $0x1  }
0x24d: {  	v3 =	vperm.xlane v3, v2;
	v4 =	vadd.s32 v1, v4;
	_ =	sdelay $0x1  }
0x24e: {  	v3 =	vadd.s32 v1, v3;
	_ =	sdelay $0x2  }
0x24f: {  	[hbm4b:s3+s4] =	stream.indirect_vreg.scatter [tilespmem:s11], [sflag:$0x3], $0x80, v4, vm0, $0xb8;
	[tilespmem:$0x14800] =	vst v63  }
0x250: {  	_ = 	snop  }
0x251: {  	[hbm4b:s3+s4] =	stream.indirect_vreg.scatter [tilespmem:s5], [sflag:$0x3], $0x80, v3, vm0, $0xb8;
	[tilespmem:$0x14800] =	vst v63  }
0x252: {  	v3 =	vld [tilespmem:s20+$0x2040];
	_ =	sdelay $0x4  }
0x253: {  	v60 =	vshll.u32 v3, $0x1  }
0x254: {  	v3 =	vand.u32 $0x7, v3;
	v4 =	vand.u32 $0xFFFFFFF0, v60  }
0x255: {  	v3 =	vor.u32 v3, v4  }
0x256: {  	v4 =	vperm.xlane v3, v0;
	_ =	sdelay $0x1  }
0x257: {  	v3 =	vperm.xlane v3, v2;
	v4 =	vadd.s32 v1, v4;
	_ =	sdelay $0x1  }
0x258: {  	v3 =	vadd.s32 v1, v3;
	_ =	sdelay $0x2  }
0x259: {  	[hbm4b:s3+s4] =	stream.indirect_vreg.scatter [tilespmem:s6], [sflag:$0x3], $0x80, v4, vm0, $0xb8;
	[tilespmem:$0x14800] =	vst v63  }
0x25a: {  	_ = 	snop  }
0x25b: {  	[hbm4b:s3+s4] =	stream.indirect_vreg.scatter [tilespmem:s7], [sflag:$0x3], $0x80, v3, vm0, $0xb8;
	[tilespmem:$0x14800] =	vst v63  }
0x25c: {  	v3 =	vld [tilespmem:s20+$0x2050];
	_ =	sdelay $0x4  }
0x25d: {  	v61 =	vshll.u32 v3, $0x1  }
0x25e: {  	v3 =	vand.u32 $0x7, v3;
	v4 =	vand.u32 $0xFFFFFFF0, v61  }
0x25f: {  	v3 =	vor.u32 v3, v4  }
0x260: {  	v4 =	vperm.xlane v3, v0;
	_ =	sdelay $0x1  }
0x261: {  	v3 =	vperm.xlane v3, v2;
	v4 =	vadd.s32 v1, v4;
	_ =	sdelay $0x1  }
0x262: {  	v3 =	vadd.s32 v1, v3;
	_ =	sdelay $0x2  }
0x263: {  	[hbm4b:s3+s4] =	stream.indirect_vreg.scatter [tilespmem:s8], [sflag:$0x3], $0x80, v4, vm0, $0xb8;
	[tilespmem:$0x14800] =	vst v63  }
0x264: {  	_ = 	snop  }
0x265: {  	[hbm4b:s3+s4] =	stream.indirect_vreg.scatter [tilespmem:s9], [sflag:$0x3], $0x80, v3, vm0, $0xb8;
	[tilespmem:$0x14800] =	vst v63  }
0x266: {  	v3 =	vld [tilespmem:s20+$0x2060];
	_ =	sdelay $0x4  }
0x267: {  	v62 =	vshll.u32 v3, $0x1  }
0x268: {  	v3 =	vand.u32 $0x7, v3;
	v4 =	vand.u32 $0xFFFFFFF0, v62  }
0x269: {  	v3 =	vor.u32 v3, v4  }
0x26a: {  	v4 =	vperm.xlane v3, v0;
	_ =	sdelay $0x1  }
0x26b: {  	v3 =	vperm.xlane v3, v2;
	v4 =	vadd.s32 v1, v4;
	_ =	sdelay $0x1  }
0x26c: {  	v3 =	vadd.s32 v1, v3;
	_ =	sdelay $0x2  }
0x26d: {  	[hbm4b:s3+s4] =	stream.indirect_vreg.scatter [tilespmem:s12], [sflag:$0x3], $0x80, v4, vm0, $0xb8;
	[tilespmem:$0x14800] =	vst v63  }
0x26e: {  	_ = 	snop  }
0x26f: {  	[hbm4b:s3+s4] =	stream.indirect_vreg.scatter [tilespmem:s13], [sflag:$0x3], $0x80, v3, vm0, $0xb8;
	[tilespmem:$0x14800] =	vst v63  }
0x270: {  	v3 =	vld [tilespmem:s20+$0x2070];
	_ =	sdelay $0x4  }
0x271: {  	v63 =	vshll.u32 v3, $0x1  }
0x272: {  	v3 =	vand.u32 $0x7, v3;
	v4 =	vand.u32 $0xFFFFFFF0, v63  }
0x273: {  	v3 =	vor.u32 v3, v4  }
0x274: {  	v4 =	vperm.xlane v3, v0;
	_ =	sdelay $0x1  }
0x275: {  	v3 =	vperm.xlane v3, v2;
	v4 =	vadd.s32 v1, v4;
	_ =	sdelay $0x1  }
0x276: {  	v3 =	vadd.s32 v1, v3  }
0x277: {  	s19 =	sadd.s32 $0x1, s19  }
0x278: {  	p0 =	sne.s32 s19, $0x20  }
0x279: {  	[hbm4b:s3+s4] =	stream.indirect_vreg.scatter [tilespmem:s14], [sflag:$0x3], $0x80, v4, vm0, $0xb8;
	[tilespmem:$0x14800] =	vst v63  }
.Ltmp3:
0x27a: {  	_ = 	snop;
	(pc) =	sbr.rel @p0 .LBB2_2-.Ltmp3, $4  }
0x27b: {  	[hbm4b:s3+s4] =	stream.indirect_vreg.scatter [tilespmem:s15], [sflag:$0x3], $0x80, v3, vm0, $0xb8;
	[tilespmem:$0x14800] =	vst v63  }
0x27c: {  	_ =	swait.ge [sflag:s17], $0x8000  }
0x27d: {  	[sflag:s17] =	ssyncset.done $0x0  }
0x27e: {  	[sflag:s17] =	ssyncadd.s32 $0xFFFF8000  }
0x27f: {  	s20 =	rddreg [dreg:$0x9]  }
0x280: {  	s19 =	rddreg [dreg:$0x8];
	s20 =	sadd.s32 $0x1, s20  }
0x281: {  	p0 =	sne.s32 s20, s19  }
.Ltmp4:
0x282: {  	_ = 	snop;
	(pc) =	sbr.rel @p0 .LBB2_1-.Ltmp4, $1  }
0x283: {  	_ =	sdelay $0x3  }
0x284: {  	_ =	sfence.sel $0x180000  }
0x285: {  	[bflag:$0x0] =	sbarrier.arrive $0xFFFF  }
0x286: {  	_ =	strace $0x90000047  }
0x287: {  	s0 =	stileid.u32;
	[bflag:$0x2] =	sbarrier.arrive $0xFFFF  }
0x288: {  	p0 =	sne.s32 s0, $0x0;
	s0 =	rddreg [dreg:$0x4]  }
0x289: {  	s0 =	sadd.s32 @!p0 $0x100000, s0  }
0x28a: {  	[sflag:s0] =	ssyncadd.tile.s32 @!p0 $0x1;
	_ =	shalt  }
.Lfunc_end2:
_tile_overlayer_lowered:
.L_overlay_start_2:
0x28b: {  	(tag) =	ssettag $0x2  }
0x28c: {  	s0 =	rddreg [dreg:$0x0];
	s2 =	stileid.u32  }
0x28d: {  	s1 =	rddreg [dreg:$0x1];
	p0 =	sne.s32 s2, $0x0  }
0x28e: {  	s3 =	rddreg [dreg:$0x2];
	[bflag:$0x3] =	sbarrier.arrive $0xFFFF;
	s2 =	simm.s32 @!p0 $0x1C04  }
0x28f: {  	[timem:s3], [sflag:s2] =	dma.local @!p0 [hbm:s0], s1  }
0x290: {  	s0 =	simm.s32 @!p0 $0x4  }
0x291: {  	_ =	swait.ge @!p0 [sflag:s0], s1  }
0x292: {  	s1 =	ssub.s32 @!p0 $0x0, s1;
	[sflag:s0] =	ssyncset.done @!p0 $0x0  }
0x293: {  	[sflag:s0] =	ssyncadd.s32 @!p0 s1  }
0x294: {  	[bflag:$0x3] =	sbarrier.arrive $0xFFFF  }
0x295: {  	_ =	shalt  }

</sc_bundles>
